<compile_context>
chip_gen: v7x
topology: tpu7x:2x2x1
jax: 0.10.2.dev20260603
libtpu: 0.0.44.dev20260713+nightly
codegen_flags: <defaults>
</compile_context>

<pallas_src>
import functools
import math

import jax
import jax.numpy as jnp
from jax import lax
from jax.experimental import pallas as pl
from jax.experimental.pallas import tpu as pltpu
from jax.experimental.pallas import tpu_sc as plsc

VOCAB = 1000000
D = 32
SCALE = math.sqrt(D)

NC = 2
NS = 16
NW = NC * NS

B_TOTAL = 16384 * 200
PER_W = B_TOTAL // NW
CHUNK = 1024
NCHUNK = PER_W // CHUNK
SUB = 128
NSUB = CHUNK // SUB
VECS_PER_CHUNK = CHUNK * D // 16


def _emb_body(x_hbm, table_hbm, out_hbm, idx_v, rows_v, sem0, sem1):
    wid = lax.axis_index("s") * NC + lax.axis_index("c")
    base = wid * PER_W
    sems = (sem0, sem1)

    def load_and_fire(g, p):
        start = base + g * CHUNK
        pltpu.sync_copy(x_hbm.at[pl.ds(start, CHUNK)], idx_v.at[p])
        for s in range(NSUB):
            pltpu.async_copy(
                table_hbm.at[idx_v.at[p, pl.ds(s * SUB, SUB)]],
                rows_v.at[p, pl.ds(s * SUB, SUB)],
                sems[p],
            )

    def drain(p):
        for s in range(NSUB):
            pltpu.make_async_copy(
                table_hbm.at[idx_v.at[p, pl.ds(s * SUB, SUB)]],
                rows_v.at[p, pl.ds(s * SUB, SUB)],
                sems[p],
            ).wait()

    def scale_and_store(g, p):
        @pl.loop(0, CHUNK)
        def _scale(j):
            rows_v[p, j, pl.ds(0, 16)] = rows_v[p, j, pl.ds(0, 16)] * SCALE
            rows_v[p, j, pl.ds(16, 16)] = rows_v[p, j, pl.ds(16, 16)] * SCALE

        pltpu.sync_copy(rows_v.at[p], out_hbm.at[pl.ds(base + g * CHUNK, CHUNK)])

    load_and_fire(0, 0)

    @pl.loop(0, NCHUNK, step=2)
    def _chunks(g):
        for b in range(2):
            gb = g + b

            @pl.when(gb + 1 < NCHUNK)
            def _prefetch():
                load_and_fire(gb + 1, 1 - b)

            drain(b)
            scale_and_store(gb, b)


@functools.partial(jax.jit, static_argnames=())
def _emb(x_flat, table):
    mesh = plsc.VectorSubcoreMesh(core_axis_name="c", subcore_axis_name="s")
    run = pl.kernel(
        _emb_body,
        out_type=jax.ShapeDtypeStruct((B_TOTAL, D), jnp.float32),
        mesh=mesh,
        scratch_types=[
            pltpu.VMEM((2, CHUNK), jnp.int32),
            pltpu.VMEM((2, CHUNK, D), jnp.float32),
            pltpu.SemaphoreType.DMA,
            pltpu.SemaphoreType.DMA,
        ],
        name="sc_text_embedding",
        compiler_params=pltpu.CompilerParams(use_tc_tiling_on_sc=False),
    )
    return run(x_flat, table)


def kernel(x, table):
    x_flat = x.reshape(-1).astype(jnp.int32)
    out = _emb(x_flat, table)
    return out.reshape(x.shape[0], x.shape[1], D)

# --- scband reference (transcript-rebuilt; emitter-appended) ---
"""Pipeline reference for scband-text-embedding-70497593197147 (READ-ONLY COPY).

The authoritative reference and input builder live on the scoring server;
editing this copy changes nothing except your own understanding.
"""

import math
import jax, jax.numpy as jnp
import numpy as np

VOCAB = 1000000
D_MODEL = 32
PADDING_IDX = 0

def setup_inputs(seed: int = 0) -> dict:
    key = jax.random.key(seed)
    k1, k2 = jax.random.split(key)
    table = jax.random.normal(k1, (VOCAB, D_MODEL), dtype=jnp.float32)
    # nn.Embedding with padding_idx zeros that row at init
    table = table.at[PADDING_IDX].set(0.0)
    x = jax.random.randint(k2, (16384, 200), 0, VOCAB, dtype=jnp.int64)
    return {"x": x, "table": table}

def reference(x, table):
    embedding = jnp.take(table, x, axis=0)
    return embedding * math.sqrt(D_MODEL)

if __name__ == "__main__":
    import jax
    _d = setup_inputs()
    print(jax.jit(kernel)(*tuple(_d.values())))

</pallas_src>

<mosaic_0001>
#map = affine_map<(d0, d1) -> (0)>
#map1 = affine_map<(d0, d1) -> (0, 0)>
module attributes {stable_mosaic.version = 14 : i64} {
  func.func @sc_text_embedding(%arg0: i32, %arg1: i32, %arg2: memref<3276800xi32, #tpu.memory_space<hbm>>, %arg3: memref<1000000x32xf32, #tpu.memory_space<hbm>>, %arg4: memref<3276800x32xf32, #tpu.memory_space<hbm>>, %arg5: memref<2x1024xi32, #tpu.memory_space<vmem>>, %arg6: memref<2x1024x32xf32, #tpu.memory_space<vmem>>, %arg7: memref<!tpu.dma_semaphore, #tpu.memory_space<semaphore_mem>>, %arg8: memref<!tpu.dma_semaphore, #tpu.memory_space<semaphore_mem>>) attributes {dimension_semantics = [#tpu.dimension_semantics<core_parallel>, #tpu.dimension_semantics<subcore_parallel>], iteration_bounds = array<i64: 2, 16>, scalar_prefetch = 0 : i64, scratch_operands = 4 : i64, tpu.core_type = #tpu.core_type<sc_vector_subcore>, window_params = [{transform_indices = #map}, {transform_indices = #map1}, {transform_indices = #map1}]} {
    %mul3A = arith.constant 2 : i32
    %mul3A_0 = arith.muli %arg1, %mul3A : i32
    %add3A = arith.addi %mul3A_0, %arg0 : i32
    %mul3A_1 = arith.constant 102400 : i32
    %mul3A_2 = arith.muli %add3A, %mul3A_1 : i32
    %add3A_3 = arith.constant 0 : i32
    %add3A_4 = arith.addi %mul3A_2, %add3A_3 : i32
    %run_scoped3A = arith.constant 0 : i32
    "tpu.region"() ({
      %run_scoped3A_104 = tpu.sem_alloc : memref<!tpu.dma_semaphore, #tpu.memory_space<semaphore_mem>>
      %dma_start3A_105 = arith.constant 0 : i32
      %dma_start3A_106 = tpu.memref_slice %arg5[%run_scoped3A, %dma_start3A_105] : memref<2x1024xi32, #tpu.memory_space<vmem>> -> memref<1x1024xi32, #tpu.memory_space<vmem>>
      %dma_start3A_107 = tpu.memref_squeeze %dma_start3A_106 : memref<1x1024xi32, #tpu.memory_space<vmem>> -> memref<1024xi32, #tpu.memory_space<vmem>>
      %dma_start3A_108 = tpu.memref_slice %arg2[%add3A_4] : memref<3276800xi32, #tpu.memory_space<hbm>> -> memref<1024xi32, #tpu.memory_space<hbm>>
      %dma_start3A_109 = arith.constant 0 : i32
      %dma_start3A_110 = tpu.memref_slice %arg5[%run_scoped3A, %dma_start3A_109] : memref<2x1024xi32, #tpu.memory_space<vmem>> -> memref<1x1024xi32, #tpu.memory_space<vmem>>
      %dma_start3A_111 = tpu.memref_squeeze %dma_start3A_110 : memref<1x1024xi32, #tpu.memory_space<vmem>> -> memref<1024xi32, #tpu.memory_space<vmem>>
      %dma_start3A_112 = tpu.memref_slice %arg2[%add3A_4] : memref<3276800xi32, #tpu.memory_space<hbm>> -> memref<1024xi32, #tpu.memory_space<hbm>>
      tpu.enqueue_dma source(%dma_start3A_112 : memref<1024xi32, #tpu.memory_space<hbm>>) target(%dma_start3A_111 : memref<1024xi32, #tpu.memory_space<vmem>>) target_semaphore(%run_scoped3A_104 : memref<!tpu.dma_semaphore, #tpu.memory_space<semaphore_mem>>)
      %dma_wait3A = arith.constant 0 : i32
      %dma_wait3A_113 = tpu.memref_slice %arg5[%run_scoped3A, %dma_wait3A] : memref<2x1024xi32, #tpu.memory_space<vmem>> -> memref<1x1024xi32, #tpu.memory_space<vmem>>
      %dma_wait3A_114 = tpu.memref_squeeze %dma_wait3A_113 : memref<1x1024xi32, #tpu.memory_space<vmem>> -> memref<1024xi32, #tpu.memory_space<vmem>>
      %dma_wait3A_115 = tpu.memref_slice %arg2[%add3A_4] : memref<3276800xi32, #tpu.memory_space<hbm>> -> memref<1024xi32, #tpu.memory_space<hbm>>
      %dma_wait3A_116 = arith.constant 0 : i32
      %dma_wait3A_117 = tpu.memref_slice %arg5[%run_scoped3A, %dma_wait3A_116] : memref<2x1024xi32, #tpu.memory_space<vmem>> -> memref<1x1024xi32, #tpu.memory_space<vmem>>
      %dma_wait3A_118 = tpu.memref_squeeze %dma_wait3A_117 : memref<1x1024xi32, #tpu.memory_space<vmem>> -> memref<1024xi32, #tpu.memory_space<vmem>>
      %dma_wait3A_119 = tpu.memref_slice %arg2[%add3A_4] : memref<3276800xi32, #tpu.memory_space<hbm>> -> memref<1024xi32, #tpu.memory_space<hbm>>
      tpu.wait_dma2 semaphore(%run_scoped3A_104 : memref<!tpu.dma_semaphore, #tpu.memory_space<semaphore_mem>>) src(%dma_wait3A_119 : memref<1024xi32, #tpu.memory_space<hbm>>) dst(%dma_wait3A_118 : memref<1024xi32, #tpu.memory_space<vmem>>)
      tpu.yield
    }) : () -> ()
    %dma_start3A = arith.constant 0 : i32
    %dma_start3A_5 = arith.constant 0 : i32
    %dma_start3A_6 = arith.constant 0 : i32
    %dma_start3A_7 = arith.constant 0 : i32
    %dma_start3A_8 = tpu.memref_slice %arg6[%dma_start3A_5, %dma_start3A_6, %dma_start3A_7] : memref<2x1024x32xf32, #tpu.memory_space<vmem>> -> memref<1x128x32xf32, #tpu.memory_space<vmem>>
    %dma_start3A_9 = tpu.memref_squeeze %dma_start3A_8 : memref<1x128x32xf32, #tpu.memory_space<vmem>> -> memref<128x32xf32, #tpu.memory_space<vmem>>
    %dma_start3A_10 = arith.constant 0 : i32
    %dma_start3A_11 = tpu.memref_slice %arg5[%dma_start3A, %dma_start3A_10] : memref<2x1024xi32, #tpu.memory_space<vmem>> -> memref<1x128xi32, #tpu.memory_space<vmem>>
    %dma_start3A_12 = tpu.memref_squeeze %dma_start3A_11 : memref<1x128xi32, #tpu.memory_space<vmem>> -> memref<128xi32, #tpu.memory_space<vmem>>
    %dma_start3A_13 = arith.constant 0 : i32
    %dma_start3A_14 = arith.constant 0 : i32
    %dma_start3A_15 = tpu.memref_slice %arg3[%dma_start3A_13, %dma_start3A_14] : memref<1000000x32xf32, #tpu.memory_space<hbm>> -> memref<1000000x32xf32, #tpu.memory_space<hbm>>
    tpu.enqueue_indirect_dma source(%dma_start3A_15 : memref<1000000x32xf32, #tpu.memory_space<hbm>>) target(%dma_start3A_9 : memref<128x32xf32, #tpu.memory_space<vmem>>) offsets(%dma_start3A_12 : memref<128xi32, #tpu.memory_space<vmem>>) semaphore(%arg7 : memref<!tpu.dma_semaphore, #tpu.memory_space<semaphore_mem>>)
    %dma_start3A_16 = arith.constant 0 : i32
    %dma_start3A_17 = arith.constant 0 : i32
    %dma_start3A_18 = arith.constant 128 : i32
    %dma_start3A_19 = arith.constant 0 : i32
    %dma_start3A_20 = tpu.memref_slice %arg6[%dma_start3A_17, %dma_start3A_18, %dma_start3A_19] : memref<2x1024x32xf32, #tpu.memory_space<vmem>> -> memref<1x128x32xf32, #tpu.memory_space<vmem>>
    %dma_start3A_21 = tpu.memref_squeeze %dma_start3A_20 : memref<1x128x32xf32, #tpu.memory_space<vmem>> -> memref<128x32xf32, #tpu.memory_space<vmem>>
    %dma_start3A_22 = arith.constant 128 : i32
    %dma_start3A_23 = tpu.memref_slice %arg5[%dma_start3A_16, %dma_start3A_22] : memref<2x1024xi32, #tpu.memory_space<vmem>> -> memref<1x128xi32, #tpu.memory_space<vmem>>
    %dma_start3A_24 = tpu.memref_squeeze %dma_start3A_23 : memref<1x128xi32, #tpu.memory_space<vmem>> -> memref<128xi32, #tpu.memory_space<vmem>>
    %dma_start3A_25 = arith.constant 0 : i32
    %dma_start3A_26 = arith.constant 0 : i32
    %dma_start3A_27 = tpu.memref_slice %arg3[%dma_start3A_25, %dma_start3A_26] : memref<1000000x32xf32, #tpu.memory_space<hbm>> -> memref<1000000x32xf32, #tpu.memory_space<hbm>>
    tpu.enqueue_indirect_dma source(%dma_start3A_27 : memref<1000000x32xf32, #tpu.memory_space<hbm>>) target(%dma_start3A_21 : memref<128x32xf32, #tpu.memory_space<vmem>>) offsets(%dma_start3A_24 : memref<128xi32, #tpu.memory_space<vmem>>) semaphore(%arg7 : memref<!tpu.dma_semaphore, #tpu.memory_space<semaphore_mem>>)
    %dma_start3A_28 = arith.constant 0 : i32
    %dma_start3A_29 = arith.constant 0 : i32
    %dma_start3A_30 = arith.constant 256 : i32
    %dma_start3A_31 = arith.constant 0 : i32
    %dma_start3A_32 = tpu.memref_slice %arg6[%dma_start3A_29, %dma_start3A_30, %dma_start3A_31] : memref<2x1024x32xf32, #tpu.memory_space<vmem>> -> memref<1x128x32xf32, #tpu.memory_space<vmem>>
    %dma_start3A_33 = tpu.memref_squeeze %dma_start3A_32 : memref<1x128x32xf32, #tpu.memory_space<vmem>> -> memref<128x32xf32, #tpu.memory_space<vmem>>
    %dma_start3A_34 = arith.constant 256 : i32
    %dma_start3A_35 = tpu.memref_slice %arg5[%dma_start3A_28, %dma_start3A_34] : memref<2x1024xi32, #tpu.memory_space<vmem>> -> memref<1x128xi32, #tpu.memory_space<vmem>>
    %dma_start3A_36 = tpu.memref_squeeze %dma_start3A_35 : memref<1x128xi32, #tpu.memory_space<vmem>> -> memref<128xi32, #tpu.memory_space<vmem>>
    %dma_start3A_37 = arith.constant 0 : i32
    %dma_start3A_38 = arith.constant 0 : i32
    %dma_start3A_39 = tpu.memref_slice %arg3[%dma_start3A_37, %dma_start3A_38] : memref<1000000x32xf32, #tpu.memory_space<hbm>> -> memref<1000000x32xf32, #tpu.memory_space<hbm>>
    tpu.enqueue_indirect_dma source(%dma_start3A_39 : memref<1000000x32xf32, #tpu.memory_space<hbm>>) target(%dma_start3A_33 : memref<128x32xf32, #tpu.memory_space<vmem>>) offsets(%dma_start3A_36 : memref<128xi32, #tpu.memory_space<vmem>>) semaphore(%arg7 : memref<!tpu.dma_semaphore, #tpu.memory_space<semaphore_mem>>)
    %dma_start3A_40 = arith.constant 0 : i32
    %dma_start3A_41 = arith.constant 0 : i32
    %dma_start3A_42 = arith.constant 384 : i32
    %dma_start3A_43 = arith.constant 0 : i32
    %dma_start3A_44 = tpu.memref_slice %arg6[%dma_start3A_41, %dma_start3A_42, %dma_start3A_43] : memref<2x1024x32xf32, #tpu.memory_space<vmem>> -> memref<1x128x32xf32, #tpu.memory_space<vmem>>
    %dma_start3A_45 = tpu.memref_squeeze %dma_start3A_44 : memref<1x128x32xf32, #tpu.memory_space<vmem>> -> memref<128x32xf32, #tpu.memory_space<vmem>>
    %dma_start3A_46 = arith.constant 384 : i32
    %dma_start3A_47 = tpu.memref_slice %arg5[%dma_start3A_40, %dma_start3A_46] : memref<2x1024xi32, #tpu.memory_space<vmem>> -> memref<1x128xi32, #tpu.memory_space<vmem>>
    %dma_start3A_48 = tpu.memref_squeeze %dma_start3A_47 : memref<1x128xi32, #tpu.memory_space<vmem>> -> memref<128xi32, #tpu.memory_space<vmem>>
    %dma_start3A_49 = arith.constant 0 : i32
    %dma_start3A_50 = arith.constant 0 : i32
    %dma_start3A_51 = tpu.memref_slice %arg3[%dma_start3A_49, %dma_start3A_50] : memref<1000000x32xf32, #tpu.memory_space<hbm>> -> memref<1000000x32xf32, #tpu.memory_space<hbm>>
    tpu.enqueue_indirect_dma source(%dma_start3A_51 : memref<1000000x32xf32, #tpu.memory_space<hbm>>) target(%dma_start3A_45 : memref<128x32xf32, #tpu.memory_space<vmem>>) offsets(%dma_start3A_48 : memref<128xi32, #tpu.memory_space<vmem>>) semaphore(%arg7 : memref<!tpu.dma_semaphore, #tpu.memory_space<semaphore_mem>>)
    %dma_start3A_52 = arith.constant 0 : i32
    %dma_start3A_53 = arith.constant 0 : i32
    %dma_start3A_54 = arith.constant 512 : i32
    %dma_start3A_55 = arith.constant 0 : i32
    %dma_start3A_56 = tpu.memref_slice %arg6[%dma_start3A_53, %dma_start3A_54, %dma_start3A_55] : memref<2x1024x32xf32, #tpu.memory_space<vmem>> -> memref<1x128x32xf32, #tpu.memory_space<vmem>>
    %dma_start3A_57 = tpu.memref_squeeze %dma_start3A_56 : memref<1x128x32xf32, #tpu.memory_space<vmem>> -> memref<128x32xf32, #tpu.memory_space<vmem>>
    %dma_start3A_58 = arith.constant 512 : i32
    %dma_start3A_59 = tpu.memref_slice %arg5[%dma_start3A_52, %dma_start3A_58] : memref<2x1024xi32, #tpu.memory_space<vmem>> -> memref<1x128xi32, #tpu.memory_space<vmem>>
    %dma_start3A_60 = tpu.memref_squeeze %dma_start3A_59 : memref<1x128xi32, #tpu.memory_space<vmem>> -> memref<128xi32, #tpu.memory_space<vmem>>
    %dma_start3A_61 = arith.constant 0 : i32
    %dma_start3A_62 = arith.constant 0 : i32
    %dma_start3A_63 = tpu.memref_slice %arg3[%dma_start3A_61, %dma_start3A_62] : memref<1000000x32xf32, #tpu.memory_space<hbm>> -> memref<1000000x32xf32, #tpu.memory_space<hbm>>
    tpu.enqueue_indirect_dma source(%dma_start3A_63 : memref<1000000x32xf32, #tpu.memory_space<hbm>>) target(%dma_start3A_57 : memref<128x32xf32, #tpu.memory_space<vmem>>) offsets(%dma_start3A_60 : memref<128xi32, #tpu.memory_space<vmem>>) semaphore(%arg7 : memref<!tpu.dma_semaphore, #tpu.memory_space<semaphore_mem>>)
    %dma_start3A_64 = arith.constant 0 : i32
    %dma_start3A_65 = arith.constant 0 : i32
    %dma_start3A_66 = arith.constant 640 : i32
    %dma_start3A_67 = arith.constant 0 : i32
    %dma_start3A_68 = tpu.memref_slice %arg6[%dma_start3A_65, %dma_start3A_66, %dma_start3A_67] : memref<2x1024x32xf32, #tpu.memory_space<vmem>> -> memref<1x128x32xf32, #tpu.memory_space<vmem>>
    %dma_start3A_69 = tpu.memref_squeeze %dma_start3A_68 : memref<1x128x32xf32, #tpu.memory_space<vmem>> -> memref<128x32xf32, #tpu.memory_space<vmem>>
    %dma_start3A_70 = arith.constant 640 : i32
    %dma_start3A_71 = tpu.memref_slice %arg5[%dma_start3A_64, %dma_start3A_70] : memref<2x1024xi32, #tpu.memory_space<vmem>> -> memref<1x128xi32, #tpu.memory_space<vmem>>
    %dma_start3A_72 = tpu.memref_squeeze %dma_start3A_71 : memref<1x128xi32, #tpu.memory_space<vmem>> -> memref<128xi32, #tpu.memory_space<vmem>>
    %dma_start3A_73 = arith.constant 0 : i32
    %dma_start3A_74 = arith.constant 0 : i32
    %dma_start3A_75 = tpu.memref_slice %arg3[%dma_start3A_73, %dma_start3A_74] : memref<1000000x32xf32, #tpu.memory_space<hbm>> -> memref<1000000x32xf32, #tpu.memory_space<hbm>>
    tpu.enqueue_indirect_dma source(%dma_start3A_75 : memref<1000000x32xf32, #tpu.memory_space<hbm>>) target(%dma_start3A_69 : memref<128x32xf32, #tpu.memory_space<vmem>>) offsets(%dma_start3A_72 : memref<128xi32, #tpu.memory_space<vmem>>) semaphore(%arg7 : memref<!tpu.dma_semaphore, #tpu.memory_space<semaphore_mem>>)
    %dma_start3A_76 = arith.constant 0 : i32
    %dma_start3A_77 = arith.constant 0 : i32
    %dma_start3A_78 = arith.constant 768 : i32
    %dma_start3A_79 = arith.constant 0 : i32
    %dma_start3A_80 = tpu.memref_slice %arg6[%dma_start3A_77, %dma_start3A_78, %dma_start3A_79] : memref<2x1024x32xf32, #tpu.memory_space<vmem>> -> memref<1x128x32xf32, #tpu.memory_space<vmem>>
    %dma_start3A_81 = tpu.memref_squeeze %dma_start3A_80 : memref<1x128x32xf32, #tpu.memory_space<vmem>> -> memref<128x32xf32, #tpu.memory_space<vmem>>
    %dma_start3A_82 = arith.constant 768 : i32
    %dma_start3A_83 = tpu.memref_slice %arg5[%dma_start3A_76, %dma_start3A_82] : memref<2x1024xi32, #tpu.memory_space<vmem>> -> memref<1x128xi32, #tpu.memory_space<vmem>>
    %dma_start3A_84 = tpu.memref_squeeze %dma_start3A_83 : memref<1x128xi32, #tpu.memory_space<vmem>> -> memref<128xi32, #tpu.memory_space<vmem>>
    %dma_start3A_85 = arith.constant 0 : i32
    %dma_start3A_86 = arith.constant 0 : i32
    %dma_start3A_87 = tpu.memref_slice %arg3[%dma_start3A_85, %dma_start3A_86] : memref<1000000x32xf32, #tpu.memory_space<hbm>> -> memref<1000000x32xf32, #tpu.memory_space<hbm>>
    tpu.enqueue_indirect_dma source(%dma_start3A_87 : memref<1000000x32xf32, #tpu.memory_space<hbm>>) target(%dma_start3A_81 : memref<128x32xf32, #tpu.memory_space<vmem>>) offsets(%dma_start3A_84 : memref<128xi32, #tpu.memory_space<vmem>>) semaphore(%arg7 : memref<!tpu.dma_semaphore, #tpu.memory_space<semaphore_mem>>)
    %dma_start3A_88 = arith.constant 0 : i32
    %dma_start3A_89 = arith.constant 0 : i32
    %dma_start3A_90 = arith.constant 896 : i32
    %dma_start3A_91 = arith.constant 0 : i32
    %dma_start3A_92 = tpu.memref_slice %arg6[%dma_start3A_89, %dma_start3A_90, %dma_start3A_91] : memref<2x1024x32xf32, #tpu.memory_space<vmem>> -> memref<1x128x32xf32, #tpu.memory_space<vmem>>
    %dma_start3A_93 = tpu.memref_squeeze %dma_start3A_92 : memref<1x128x32xf32, #tpu.memory_space<vmem>> -> memref<128x32xf32, #tpu.memory_space<vmem>>
    %dma_start3A_94 = arith.constant 896 : i32
    %dma_start3A_95 = tpu.memref_slice %arg5[%dma_start3A_88, %dma_start3A_94] : memref<2x1024xi32, #tpu.memory_space<vmem>> -> memref<1x128xi32, #tpu.memory_space<vmem>>
    %dma_start3A_96 = tpu.memref_squeeze %dma_start3A_95 : memref<1x128xi32, #tpu.memory_space<vmem>> -> memref<128xi32, #tpu.memory_space<vmem>>
    %dma_start3A_97 = arith.constant 0 : i32
    %dma_start3A_98 = arith.constant 0 : i32
    %dma_start3A_99 = tpu.memref_slice %arg3[%dma_start3A_97, %dma_start3A_98] : memref<1000000x32xf32, #tpu.memory_space<hbm>> -> memref<1000000x32xf32, #tpu.memory_space<hbm>>
    tpu.enqueue_indirect_dma source(%dma_start3A_99 : memref<1000000x32xf32, #tpu.memory_space<hbm>>) target(%dma_start3A_93 : memref<128x32xf32, #tpu.memory_space<vmem>>) offsets(%dma_start3A_96 : memref<128xi32, #tpu.memory_space<vmem>>) semaphore(%arg7 : memref<!tpu.dma_semaphore, #tpu.memory_space<semaphore_mem>>)
    %scan3A = arith.constant 0 : i32
    %scan3A_100 = arith.constant 50 : i32
    %scan3A_101 = arith.addi %scan3A, %scan3A_100 : i32
    %scan3A_102 = arith.constant 1 : i32
    scf.for %scan3A_104 = %scan3A to %scan3A_101 step %scan3A_102  : i32 {
      %mul3A_105 = arith.constant 2 : i32
      %mul3A_106 = arith.muli %scan3A_104, %mul3A_105 : i32
      %add3A_107 = arith.constant 0 : i32
      %add3A_108 = arith.addi %add3A_107, %mul3A_106 : i32
      %add3A_109 = arith.constant 0 : i32
      %add3A_110 = arith.addi %add3A_108, %add3A_109 : i32
      %add3A_111 = arith.constant 1 : i32
      %add3A_112 = arith.addi %add3A_110, %add3A_111 : i32
      %lt3A = arith.constant 100 : i32
      %lt3A_113 = arith.cmpi slt, %add3A_112, %lt3A : i32
      %convert_element_type3A = arith.extui %lt3A_113 : i1 to i32
      %cond3A = arith.constant 0 : i32
      %cond3A_114 = arith.cmpi ne, %convert_element_type3A, %cond3A : i32
      scf.if %cond3A_114 {
        %add3A_333 = arith.constant 1 : i32
        %add3A_334 = arith.addi %add3A_110, %add3A_333 : i32
        %mul3A_335 = arith.constant 1024 : i32
        %mul3A_336 = arith.muli %add3A_334, %mul3A_335 : i32
        %add3A_337 = arith.addi %mul3A_2, %mul3A_336 : i32
        %run_scoped3A_338 = arith.constant 1 : i32
        "tpu.region"() ({
          %run_scoped3A_435 = tpu.sem_alloc : memref<!tpu.dma_semaphore, #tpu.memory_space<semaphore_mem>>
          %dma_start3A_436 = arith.constant 0 : i32
          %dma_start3A_437 = tpu.memref_slice %arg5[%run_scoped3A_338, %dma_start3A_436] : memref<2x1024xi32, #tpu.memory_space<vmem>> -> memref<1x1024xi32, #tpu.memory_space<vmem>>
          %dma_start3A_438 = tpu.memref_squeeze %dma_start3A_437 : memref<1x1024xi32, #tpu.memory_space<vmem>> -> memref<1024xi32, #tpu.memory_space<vmem>>
          %dma_start3A_439 = tpu.memref_slice %arg2[%add3A_337] : memref<3276800xi32, #tpu.memory_space<hbm>> -> memref<1024xi32, #tpu.memory_space<hbm>>
          %dma_start3A_440 = arith.constant 0 : i32
          %dma_start3A_441 = tpu.memref_slice %arg5[%run_scoped3A_338, %dma_start3A_440] : memref<2x1024xi32, #tpu.memory_space<vmem>> -> memref<1x1024xi32, #tpu.memory_space<vmem>>
          %dma_start3A_442 = tpu.memref_squeeze %dma_start3A_441 : memref<1x1024xi32, #tpu.memory_space<vmem>> -> memref<1024xi32, #tpu.memory_space<vmem>>
          %dma_start3A_443 = tpu.memref_slice %arg2[%add3A_337] : memref<3276800xi32, #tpu.memory_space<hbm>> -> memref<1024xi32, #tpu.memory_space<hbm>>
          tpu.enqueue_dma source(%dma_start3A_443 : memref<1024xi32, #tpu.memory_space<hbm>>) target(%dma_start3A_442 : memref<1024xi32, #tpu.memory_space<vmem>>) target_semaphore(%run_scoped3A_435 : memref<!tpu.dma_semaphore, #tpu.memory_space<semaphore_mem>>)
          %dma_wait3A_444 = arith.constant 0 : i32
          %dma_wait3A_445 = tpu.memref_slice %arg5[%run_scoped3A_338, %dma_wait3A_444] : memref<2x1024xi32, #tpu.memory_space<vmem>> -> memref<1x1024xi32, #tpu.memory_space<vmem>>
          %dma_wait3A_446 = tpu.memref_squeeze %dma_wait3A_445 : memref<1x1024xi32, #tpu.memory_space<vmem>> -> memref<1024xi32, #tpu.memory_space<vmem>>
          %dma_wait3A_447 = tpu.memref_slice %arg2[%add3A_337] : memref<3276800xi32, #tpu.memory_space<hbm>> -> memref<1024xi32, #tpu.memory_space<hbm>>
          %dma_wait3A_448 = arith.constant 0 : i32
          %dma_wait3A_449 = tpu.memref_slice %arg5[%run_scoped3A_338, %dma_wait3A_448] : memref<2x1024xi32, #tpu.memory_space<vmem>> -> memref<1x1024xi32, #tpu.memory_space<vmem>>
          %dma_wait3A_450 = tpu.memref_squeeze %dma_wait3A_449 : memref<1x1024xi32, #tpu.memory_space<vmem>> -> memref<1024xi32, #tpu.memory_space<vmem>>
          %dma_wait3A_451 = tpu.memref_slice %arg2[%add3A_337] : memref<3276800xi32, #tpu.memory_space<hbm>> -> memref<1024xi32, #tpu.memory_space<hbm>>
          tpu.wait_dma2 semaphore(%run_scoped3A_435 : memref<!tpu.dma_semaphore, #tpu.memory_space<semaphore_mem>>) src(%dma_wait3A_451 : memref<1024xi32, #tpu.memory_space<hbm>>) dst(%dma_wait3A_450 : memref<1024xi32, #tpu.memory_space<vmem>>)
          tpu.yield
        }) : () -> ()
        %dma_start3A_339 = arith.constant 1 : i32
        %dma_start3A_340 = arith.constant 1 : i32
        %dma_start3A_341 = arith.constant 0 : i32
        %dma_start3A_342 = arith.constant 0 : i32
        %dma_start3A_343 = tpu.memref_slice %arg6[%dma_start3A_340, %dma_start3A_341, %dma_start3A_342] : memref<2x1024x32xf32, #tpu.memory_space<vmem>> -> memref<1x128x32xf32, #tpu.memory_space<vmem>>
        %dma_start3A_344 = tpu.memref_squeeze %dma_start3A_343 : memref<1x128x32xf32, #tpu.memory_space<vmem>> -> memref<128x32xf32, #tpu.memory_space<vmem>>
        %dma_start3A_345 = arith.constant 0 : i32
        %dma_start3A_346 = tpu.memref_slice %arg5[%dma_start3A_339, %dma_start3A_345] : memref<2x1024xi32, #tpu.memory_space<vmem>> -> memref<1x128xi32, #tpu.memory_space<vmem>>
        %dma_start3A_347 = tpu.memref_squeeze %dma_start3A_346 : memref<1x128xi32, #tpu.memory_space<vmem>> -> memref<128xi32, #tpu.memory_space<vmem>>
        %dma_start3A_348 = arith.constant 0 : i32
        %dma_start3A_349 = arith.constant 0 : i32
        %dma_start3A_350 = tpu.memref_slice %arg3[%dma_start3A_348, %dma_start3A_349] : memref<1000000x32xf32, #tpu.memory_space<hbm>> -> memref<1000000x32xf32, #tpu.memory_space<hbm>>
        tpu.enqueue_indirect_dma source(%dma_start3A_350 : memref<1000000x32xf32, #tpu.memory_space<hbm>>) target(%dma_start3A_344 : memref<128x32xf32, #tpu.memory_space<vmem>>) offsets(%dma_start3A_347 : memref<128xi32, #tpu.memory_space<vmem>>) semaphore(%arg8 : memref<!tpu.dma_semaphore, #tpu.memory_space<semaphore_mem>>)
        %dma_start3A_351 = arith.constant 1 : i32
        %dma_start3A_352 = arith.constant 1 : i32
        %dma_start3A_353 = arith.constant 128 : i32
        %dma_start3A_354 = arith.constant 0 : i32
        %dma_start3A_355 = tpu.memref_slice %arg6[%dma_start3A_352, %dma_start3A_353, %dma_start3A_354] : memref<2x1024x32xf32, #tpu.memory_space<vmem>> -> memref<1x128x32xf32, #tpu.memory_space<vmem>>
        %dma_start3A_356 = tpu.memref_squeeze %dma_start3A_355 : memref<1x128x32xf32, #tpu.memory_space<vmem>> -> memref<128x32xf32, #tpu.memory_space<vmem>>
        %dma_start3A_357 = arith.constant 128 : i32
        %dma_start3A_358 = tpu.memref_slice %arg5[%dma_start3A_351, %dma_start3A_357] : memref<2x1024xi32, #tpu.memory_space<vmem>> -> memref<1x128xi32, #tpu.memory_space<vmem>>
        %dma_start3A_359 = tpu.memref_squeeze %dma_start3A_358 : memref<1x128xi32, #tpu.memory_space<vmem>> -> memref<128xi32, #tpu.memory_space<vmem>>
        %dma_start3A_360 = arith.constant 0 : i32
        %dma_start3A_361 = arith.constant 0 : i32
        %dma_start3A_362 = tpu.memref_slice %arg3[%dma_start3A_360, %dma_start3A_361] : memref<1000000x32xf32, #tpu.memory_space<hbm>> -> memref<1000000x32xf32, #tpu.memory_space<hbm>>
        tpu.enqueue_indirect_dma source(%dma_start3A_362 : memref<1000000x32xf32, #tpu.memory_space<hbm>>) target(%dma_start3A_356 : memref<128x32xf32, #tpu.memory_space<vmem>>) offsets(%dma_start3A_359 : memref<128xi32, #tpu.memory_space<vmem>>) semaphore(%arg8 : memref<!tpu.dma_semaphore, #tpu.memory_space<semaphore_mem>>)
        %dma_start3A_363 = arith.constant 1 : i32
        %dma_start3A_364 = arith.constant 1 : i32
        %dma_start3A_365 = arith.constant 256 : i32
        %dma_start3A_366 = arith.constant 0 : i32
        %dma_start3A_367 = tpu.memref_slice %arg6[%dma_start3A_364, %dma_start3A_365, %dma_start3A_366] : memref<2x1024x32xf32, #tpu.memory_space<vmem>> -> memref<1x128x32xf32, #tpu.memory_space<vmem>>
        %dma_start3A_368 = tpu.memref_squeeze %dma_start3A_367 : memref<1x128x32xf32, #tpu.memory_space<vmem>> -> memref<128x32xf32, #tpu.memory_space<vmem>>
        %dma_start3A_369 = arith.constant 256 : i32
        %dma_start3A_370 = tpu.memref_slice %arg5[%dma_start3A_363, %dma_start3A_369] : memref<2x1024xi32, #tpu.memory_space<vmem>> -> memref<1x128xi32, #tpu.memory_space<vmem>>
        %dma_start3A_371 = tpu.memref_squeeze %dma_start3A_370 : memref<1x128xi32, #tpu.memory_space<vmem>> -> memref<128xi32, #tpu.memory_space<vmem>>
        %dma_start3A_372 = arith.constant 0 : i32
        %dma_start3A_373 = arith.constant 0 : i32
        %dma_start3A_374 = tpu.memref_slice %arg3[%dma_start3A_372, %dma_start3A_373] : memref<1000000x32xf32, #tpu.memory_space<hbm>> -> memref<1000000x32xf32, #tpu.memory_space<hbm>>
        tpu.enqueue_indirect_dma source(%dma_start3A_374 : memref<1000000x32xf32, #tpu.memory_space<hbm>>) target(%dma_start3A_368 : memref<128x32xf32, #tpu.memory_space<vmem>>) offsets(%dma_start3A_371 : memref<128xi32, #tpu.memory_space<vmem>>) semaphore(%arg8 : memref<!tpu.dma_semaphore, #tpu.memory_space<semaphore_mem>>)
        %dma_start3A_375 = arith.constant 1 : i32
        %dma_start3A_376 = arith.constant 1 : i32
        %dma_start3A_377 = arith.constant 384 : i32
        %dma_start3A_378 = arith.constant 0 : i32
        %dma_start3A_379 = tpu.memref_slice %arg6[%dma_start3A_376, %dma_start3A_377, %dma_start3A_378] : memref<2x1024x32xf32, #tpu.memory_space<vmem>> -> memref<1x128x32xf32, #tpu.memory_space<vmem>>
        %dma_start3A_380 = tpu.memref_squeeze %dma_start3A_379 : memref<1x128x32xf32, #tpu.memory_space<vmem>> -> memref<128x32xf32, #tpu.memory_space<vmem>>
        %dma_start3A_381 = arith.constant 384 : i32
        %dma_start3A_382 = tpu.memref_slice %arg5[%dma_start3A_375, %dma_start3A_381] : memref<2x1024xi32, #tpu.memory_space<vmem>> -> memref<1x128xi32, #tpu.memory_space<vmem>>
        %dma_start3A_383 = tpu.memref_squeeze %dma_start3A_382 : memref<1x128xi32, #tpu.memory_space<vmem>> -> memref<128xi32, #tpu.memory_space<vmem>>
        %dma_start3A_384 = arith.constant 0 : i32
        %dma_start3A_385 = arith.constant 0 : i32
        %dma_start3A_386 = tpu.memref_slice %arg3[%dma_start3A_384, %dma_start3A_385] : memref<1000000x32xf32, #tpu.memory_space<hbm>> -> memref<1000000x32xf32, #tpu.memory_space<hbm>>
        tpu.enqueue_indirect_dma source(%dma_start3A_386 : memref<1000000x32xf32, #tpu.memory_space<hbm>>) target(%dma_start3A_380 : memref<128x32xf32, #tpu.memory_space<vmem>>) offsets(%dma_start3A_383 : memref<128xi32, #tpu.memory_space<vmem>>) semaphore(%arg8 : memref<!tpu.dma_semaphore, #tpu.memory_space<semaphore_mem>>)
        %dma_start3A_387 = arith.constant 1 : i32
        %dma_start3A_388 = arith.constant 1 : i32
        %dma_start3A_389 = arith.constant 512 : i32
        %dma_start3A_390 = arith.constant 0 : i32
        %dma_start3A_391 = tpu.memref_slice %arg6[%dma_start3A_388, %dma_start3A_389, %dma_start3A_390] : memref<2x1024x32xf32, #tpu.memory_space<vmem>> -> memref<1x128x32xf32, #tpu.memory_space<vmem>>
        %dma_start3A_392 = tpu.memref_squeeze %dma_start3A_391 : memref<1x128x32xf32, #tpu.memory_space<vmem>> -> memref<128x32xf32, #tpu.memory_space<vmem>>
        %dma_start3A_393 = arith.constant 512 : i32
        %dma_start3A_394 = tpu.memref_slice %arg5[%dma_start3A_387, %dma_start3A_393] : memref<2x1024xi32, #tpu.memory_space<vmem>> -> memref<1x128xi32, #tpu.memory_space<vmem>>
        %dma_start3A_395 = tpu.memref_squeeze %dma_start3A_394 : memref<1x128xi32, #tpu.memory_space<vmem>> -> memref<128xi32, #tpu.memory_space<vmem>>
        %dma_start3A_396 = arith.constant 0 : i32
        %dma_start3A_397 = arith.constant 0 : i32
        %dma_start3A_398 = tpu.memref_slice %arg3[%dma_start3A_396, %dma_start3A_397] : memref<1000000x32xf32, #tpu.memory_space<hbm>> -> memref<1000000x32xf32, #tpu.memory_space<hbm>>
        tpu.enqueue_indirect_dma source(%dma_start3A_398 : memref<1000000x32xf32, #tpu.memory_space<hbm>>) target(%dma_start3A_392 : memref<128x32xf32, #tpu.memory_space<vmem>>) offsets(%dma_start3A_395 : memref<128xi32, #tpu.memory_space<vmem>>) semaphore(%arg8 : memref<!tpu.dma_semaphore, #tpu.memory_space<semaphore_mem>>)
        %dma_start3A_399 = arith.constant 1 : i32
        %dma_start3A_400 = arith.constant 1 : i32
        %dma_start3A_401 = arith.constant 640 : i32
        %dma_start3A_402 = arith.constant 0 : i32
        %dma_start3A_403 = tpu.memref_slice %arg6[%dma_start3A_400, %dma_start3A_401, %dma_start3A_402] : memref<2x1024x32xf32, #tpu.memory_space<vmem>> -> memref<1x128x32xf32, #tpu.memory_space<vmem>>
        %dma_start3A_404 = tpu.memref_squeeze %dma_start3A_403 : memref<1x128x32xf32, #tpu.memory_space<vmem>> -> memref<128x32xf32, #tpu.memory_space<vmem>>
        %dma_start3A_405 = arith.constant 640 : i32
        %dma_start3A_406 = tpu.memref_slice %arg5[%dma_start3A_399, %dma_start3A_405] : memref<2x1024xi32, #tpu.memory_space<vmem>> -> memref<1x128xi32, #tpu.memory_space<vmem>>
        %dma_start3A_407 = tpu.memref_squeeze %dma_start3A_406 : memref<1x128xi32, #tpu.memory_space<vmem>> -> memref<128xi32, #tpu.memory_space<vmem>>
        %dma_start3A_408 = arith.constant 0 : i32
        %dma_start3A_409 = arith.constant 0 : i32
        %dma_start3A_410 = tpu.memref_slice %arg3[%dma_start3A_408, %dma_start3A_409] : memref<1000000x32xf32, #tpu.memory_space<hbm>> -> memref<1000000x32xf32, #tpu.memory_space<hbm>>
        tpu.enqueue_indirect_dma source(%dma_start3A_410 : memref<1000000x32xf32, #tpu.memory_space<hbm>>) target(%dma_start3A_404 : memref<128x32xf32, #tpu.memory_space<vmem>>) offsets(%dma_start3A_407 : memref<128xi32, #tpu.memory_space<vmem>>) semaphore(%arg8 : memref<!tpu.dma_semaphore, #tpu.memory_space<semaphore_mem>>)
        %dma_start3A_411 = arith.constant 1 : i32
        %dma_start3A_412 = arith.constant 1 : i32
        %dma_start3A_413 = arith.constant 768 : i32
        %dma_start3A_414 = arith.constant 0 : i32
        %dma_start3A_415 = tpu.memref_slice %arg6[%dma_start3A_412, %dma_start3A_413, %dma_start3A_414] : memref<2x1024x32xf32, #tpu.memory_space<vmem>> -> memref<1x128x32xf32, #tpu.memory_space<vmem>>
        %dma_start3A_416 = tpu.memref_squeeze %dma_start3A_415 : memref<1x128x32xf32, #tpu.memory_space<vmem>> -> memref<128x32xf32, #tpu.memory_space<vmem>>
        %dma_start3A_417 = arith.constant 768 : i32
        %dma_start3A_418 = tpu.memref_slice %arg5[%dma_start3A_411, %dma_start3A_417] : memref<2x1024xi32, #tpu.memory_space<vmem>> -> memref<1x128xi32, #tpu.memory_space<vmem>>
        %dma_start3A_419 = tpu.memref_squeeze %dma_start3A_418 : memref<1x128xi32, #tpu.memory_space<vmem>> -> memref<128xi32, #tpu.memory_space<vmem>>
        %dma_start3A_420 = arith.constant 0 : i32
        %dma_start3A_421 = arith.constant 0 : i32
        %dma_start3A_422 = tpu.memref_slice %arg3[%dma_start3A_420, %dma_start3A_421] : memref<1000000x32xf32, #tpu.memory_space<hbm>> -> memref<1000000x32xf32, #tpu.memory_space<hbm>>
        tpu.enqueue_indirect_dma source(%dma_start3A_422 : memref<1000000x32xf32, #tpu.memory_space<hbm>>) target(%dma_start3A_416 : memref<128x32xf32, #tpu.memory_space<vmem>>) offsets(%dma_start3A_419 : memref<128xi32, #tpu.memory_space<vmem>>) semaphore(%arg8 : memref<!tpu.dma_semaphore, #tpu.memory_space<semaphore_mem>>)
        %dma_start3A_423 = arith.constant 1 : i32
        %dma_start3A_424 = arith.constant 1 : i32
        %dma_start3A_425 = arith.constant 896 : i32
        %dma_start3A_426 = arith.constant 0 : i32
        %dma_start3A_427 = tpu.memref_slice %arg6[%dma_start3A_424, %dma_start3A_425, %dma_start3A_426] : memref<2x1024x32xf32, #tpu.memory_space<vmem>> -> memref<1x128x32xf32, #tpu.memory_space<vmem>>
        %dma_start3A_428 = tpu.memref_squeeze %dma_start3A_427 : memref<1x128x32xf32, #tpu.memory_space<vmem>> -> memref<128x32xf32, #tpu.memory_space<vmem>>
        %dma_start3A_429 = arith.constant 896 : i32
        %dma_start3A_430 = tpu.memref_slice %arg5[%dma_start3A_423, %dma_start3A_429] : memref<2x1024xi32, #tpu.memory_space<vmem>> -> memref<1x128xi32, #tpu.memory_space<vmem>>
        %dma_start3A_431 = tpu.memref_squeeze %dma_start3A_430 : memref<1x128xi32, #tpu.memory_space<vmem>> -> memref<128xi32, #tpu.memory_space<vmem>>
        %dma_start3A_432 = arith.constant 0 : i32
        %dma_start3A_433 = arith.constant 0 : i32
        %dma_start3A_434 = tpu.memref_slice %arg3[%dma_start3A_432, %dma_start3A_433] : memref<1000000x32xf32, #tpu.memory_space<hbm>> -> memref<1000000x32xf32, #tpu.memory_space<hbm>>
        tpu.enqueue_indirect_dma source(%dma_start3A_434 : memref<1000000x32xf32, #tpu.memory_space<hbm>>) target(%dma_start3A_428 : memref<128x32xf32, #tpu.memory_space<vmem>>) offsets(%dma_start3A_431 : memref<128xi32, #tpu.memory_space<vmem>>) semaphore(%arg8 : memref<!tpu.dma_semaphore, #tpu.memory_space<semaphore_mem>>)
      } else {
      }
      %dma_wait3A = arith.constant 0 : i32
      %dma_wait3A_115 = arith.constant 0 : i32
      %dma_wait3A_116 = arith.constant 0 : i32
      %dma_wait3A_117 = arith.constant 0 : i32
      %dma_wait3A_118 = tpu.memref_slice %arg6[%dma_wait3A_115, %dma_wait3A_116, %dma_wait3A_117] : memref<2x1024x32xf32, #tpu.memory_space<vmem>> -> memref<1x128x32xf32, #tpu.memory_space<vmem>>
      %dma_wait3A_119 = tpu.memref_squeeze %dma_wait3A_118 : memref<1x128x32xf32, #tpu.memory_space<vmem>> -> memref<128x32xf32, #tpu.memory_space<vmem>>
      %dma_wait3A_120 = arith.constant 0 : i32
      %dma_wait3A_121 = tpu.memref_slice %arg5[%dma_wait3A, %dma_wait3A_120] : memref<2x1024xi32, #tpu.memory_space<vmem>> -> memref<1x128xi32, #tpu.memory_space<vmem>>
      %dma_wait3A_122 = tpu.memref_squeeze %dma_wait3A_121 : memref<1x128xi32, #tpu.memory_space<vmem>> -> memref<128xi32, #tpu.memory_space<vmem>>
      %dma_wait3A_123 = arith.constant 0 : i32
      %dma_wait3A_124 = arith.constant 0 : i32
      %dma_wait3A_125 = tpu.memref_slice %arg3[%dma_wait3A_123, %dma_wait3A_124] : memref<1000000x32xf32, #tpu.memory_space<hbm>> -> memref<1000000x32xf32, #tpu.memory_space<hbm>>
      tpu.wait_indirect_dma semaphore(%arg7 : memref<!tpu.dma_semaphore, #tpu.memory_space<semaphore_mem>>) src(%dma_wait3A_125 : memref<1000000x32xf32, #tpu.memory_space<hbm>>) dst(%dma_wait3A_119 : memref<128x32xf32, #tpu.memory_space<vmem>>)
      %dma_wait3A_126 = arith.constant 0 : i32
      %dma_wait3A_127 = arith.constant 0 : i32
      %dma_wait3A_128 = arith.constant 128 : i32
      %dma_wait3A_129 = arith.constant 0 : i32
      %dma_wait3A_130 = tpu.memref_slice %arg6[%dma_wait3A_127, %dma_wait3A_128, %dma_wait3A_129] : memref<2x1024x32xf32, #tpu.memory_space<vmem>> -> memref<1x128x32xf32, #tpu.memory_space<vmem>>
      %dma_wait3A_131 = tpu.memref_squeeze %dma_wait3A_130 : memref<1x128x32xf32, #tpu.memory_space<vmem>> -> memref<128x32xf32, #tpu.memory_space<vmem>>
      %dma_wait3A_132 = arith.constant 128 : i32
      %dma_wait3A_133 = tpu.memref_slice %arg5[%dma_wait3A_126, %dma_wait3A_132] : memref<2x1024xi32, #tpu.memory_space<vmem>> -> memref<1x128xi32, #tpu.memory_space<vmem>>
      %dma_wait3A_134 = tpu.memref_squeeze %dma_wait3A_133 : memref<1x128xi32, #tpu.memory_space<vmem>> -> memref<128xi32, #tpu.memory_space<vmem>>
      %dma_wait3A_135 = arith.constant 0 : i32
      %dma_wait3A_136 = arith.constant 0 : i32
      %dma_wait3A_137 = tpu.memref_slice %arg3[%dma_wait3A_135, %dma_wait3A_136] : memref<1000000x32xf32, #tpu.memory_space<hbm>> -> memref<1000000x32xf32, #tpu.memory_space<hbm>>
      tpu.wait_indirect_dma semaphore(%arg7 : memref<!tpu.dma_semaphore, #tpu.memory_space<semaphore_mem>>) src(%dma_wait3A_137 : memref<1000000x32xf32, #tpu.memory_space<hbm>>) dst(%dma_wait3A_131 : memref<128x32xf32, #tpu.memory_space<vmem>>)
      %dma_wait3A_138 = arith.constant 0 : i32
      %dma_wait3A_139 = arith.constant 0 : i32
      %dma_wait3A_140 = arith.constant 256 : i32
      %dma_wait3A_141 = arith.constant 0 : i32
      %dma_wait3A_142 = tpu.memref_slice %arg6[%dma_wait3A_139, %dma_wait3A_140, %dma_wait3A_141] : memref<2x1024x32xf32, #tpu.memory_space<vmem>> -> memref<1x128x32xf32, #tpu.memory_space<vmem>>
      %dma_wait3A_143 = tpu.memref_squeeze %dma_wait3A_142 : memref<1x128x32xf32, #tpu.memory_space<vmem>> -> memref<128x32xf32, #tpu.memory_space<vmem>>
      %dma_wait3A_144 = arith.constant 256 : i32
      %dma_wait3A_145 = tpu.memref_slice %arg5[%dma_wait3A_138, %dma_wait3A_144] : memref<2x1024xi32, #tpu.memory_space<vmem>> -> memref<1x128xi32, #tpu.memory_space<vmem>>
      %dma_wait3A_146 = tpu.memref_squeeze %dma_wait3A_145 : memref<1x128xi32, #tpu.memory_space<vmem>> -> memref<128xi32, #tpu.memory_space<vmem>>
      %dma_wait3A_147 = arith.constant 0 : i32
      %dma_wait3A_148 = arith.constant 0 : i32
      %dma_wait3A_149 = tpu.memref_slice %arg3[%dma_wait3A_147, %dma_wait3A_148] : memref<1000000x32xf32, #tpu.memory_space<hbm>> -> memref<1000000x32xf32, #tpu.memory_space<hbm>>
      tpu.wait_indirect_dma semaphore(%arg7 : memref<!tpu.dma_semaphore, #tpu.memory_space<semaphore_mem>>) src(%dma_wait3A_149 : memref<1000000x32xf32, #tpu.memory_space<hbm>>) dst(%dma_wait3A_143 : memref<128x32xf32, #tpu.memory_space<vmem>>)
      %dma_wait3A_150 = arith.constant 0 : i32
      %dma_wait3A_151 = arith.constant 0 : i32
      %dma_wait3A_152 = arith.constant 384 : i32
      %dma_wait3A_153 = arith.constant 0 : i32
      %dma_wait3A_154 = tpu.memref_slice %arg6[%dma_wait3A_151, %dma_wait3A_152, %dma_wait3A_153] : memref<2x1024x32xf32, #tpu.memory_space<vmem>> -> memref<1x128x32xf32, #tpu.memory_space<vmem>>
      %dma_wait3A_155 = tpu.memref_squeeze %dma_wait3A_154 : memref<1x128x32xf32, #tpu.memory_space<vmem>> -> memref<128x32xf32, #tpu.memory_space<vmem>>
      %dma_wait3A_156 = arith.constant 384 : i32
      %dma_wait3A_157 = tpu.memref_slice %arg5[%dma_wait3A_150, %dma_wait3A_156] : memref<2x1024xi32, #tpu.memory_space<vmem>> -> memref<1x128xi32, #tpu.memory_space<vmem>>
      %dma_wait3A_158 = tpu.memref_squeeze %dma_wait3A_157 : memref<1x128xi32, #tpu.memory_space<vmem>> -> memref<128xi32, #tpu.memory_space<vmem>>
      %dma_wait3A_159 = arith.constant 0 : i32
      %dma_wait3A_160 = arith.constant 0 : i32
      %dma_wait3A_161 = tpu.memref_slice %arg3[%dma_wait3A_159, %dma_wait3A_160] : memref<1000000x32xf32, #tpu.memory_space<hbm>> -> memref<1000000x32xf32, #tpu.memory_space<hbm>>
      tpu.wait_indirect_dma semaphore(%arg7 : memref<!tpu.dma_semaphore, #tpu.memory_space<semaphore_mem>>) src(%dma_wait3A_161 : memref<1000000x32xf32, #tpu.memory_space<hbm>>) dst(%dma_wait3A_155 : memref<128x32xf32, #tpu.memory_space<vmem>>)
      %dma_wait3A_162 = arith.constant 0 : i32
      %dma_wait3A_163 = arith.constant 0 : i32
      %dma_wait3A_164 = arith.constant 512 : i32
      %dma_wait3A_165 = arith.constant 0 : i32
      %dma_wait3A_166 = tpu.memref_slice %arg6[%dma_wait3A_163, %dma_wait3A_164, %dma_wait3A_165] : memref<2x1024x32xf32, #tpu.memory_space<vmem>> -> memref<1x128x32xf32, #tpu.memory_space<vmem>>
      %dma_wait3A_167 = tpu.memref_squeeze %dma_wait3A_166 : memref<1x128x32xf32, #tpu.memory_space<vmem>> -> memref<128x32xf32, #tpu.memory_space<vmem>>
      %dma_wait3A_168 = arith.constant 512 : i32
      %dma_wait3A_169 = tpu.memref_slice %arg5[%dma_wait3A_162, %dma_wait3A_168] : memref<2x1024xi32, #tpu.memory_space<vmem>> -> memref<1x128xi32, #tpu.memory_space<vmem>>
      %dma_wait3A_170 = tpu.memref_squeeze %dma_wait3A_169 : memref<1x128xi32, #tpu.memory_space<vmem>> -> memref<128xi32, #tpu.memory_space<vmem>>
      %dma_wait3A_171 = arith.constant 0 : i32
      %dma_wait3A_172 = arith.constant 0 : i32
      %dma_wait3A_173 = tpu.memref_slice %arg3[%dma_wait3A_171, %dma_wait3A_172] : memref<1000000x32xf32, #tpu.memory_space<hbm>> -> memref<1000000x32xf32, #tpu.memory_space<hbm>>
      tpu.wait_indirect_dma semaphore(%arg7 : memref<!tpu.dma_semaphore, #tpu.memory_space<semaphore_mem>>) src(%dma_wait3A_173 : memref<1000000x32xf32, #tpu.memory_space<hbm>>) dst(%dma_wait3A_167 : memref<128x32xf32, #tpu.memory_space<vmem>>)
      %dma_wait3A_174 = arith.constant 0 : i32
      %dma_wait3A_175 = arith.constant 0 : i32
      %dma_wait3A_176 = arith.constant 640 : i32
      %dma_wait3A_177 = arith.constant 0 : i32
      %dma_wait3A_178 = tpu.memref_slice %arg6[%dma_wait3A_175, %dma_wait3A_176, %dma_wait3A_177] : memref<2x1024x32xf32, #tpu.memory_space<vmem>> -> memref<1x128x32xf32, #tpu.memory_space<vmem>>
      %dma_wait3A_179 = tpu.memref_squeeze %dma_wait3A_178 : memref<1x128x32xf32, #tpu.memory_space<vmem>> -> memref<128x32xf32, #tpu.memory_space<vmem>>
      %dma_wait3A_180 = arith.constant 640 : i32
      %dma_wait3A_181 = tpu.memref_slice %arg5[%dma_wait3A_174, %dma_wait3A_180] : memref<2x1024xi32, #tpu.memory_space<vmem>> -> memref<1x128xi32, #tpu.memory_space<vmem>>
      %dma_wait3A_182 = tpu.memref_squeeze %dma_wait3A_181 : memref<1x128xi32, #tpu.memory_space<vmem>> -> memref<128xi32, #tpu.memory_space<vmem>>
      %dma_wait3A_183 = arith.constant 0 : i32
      %dma_wait3A_184 = arith.constant 0 : i32
      %dma_wait3A_185 = tpu.memref_slice %arg3[%dma_wait3A_183, %dma_wait3A_184] : memref<1000000x32xf32, #tpu.memory_space<hbm>> -> memref<1000000x32xf32, #tpu.memory_space<hbm>>
      tpu.wait_indirect_dma semaphore(%arg7 : memref<!tpu.dma_semaphore, #tpu.memory_space<semaphore_mem>>) src(%dma_wait3A_185 : memref<1000000x32xf32, #tpu.memory_space<hbm>>) dst(%dma_wait3A_179 : memref<128x32xf32, #tpu.memory_space<vmem>>)
      %dma_wait3A_186 = arith.constant 0 : i32
      %dma_wait3A_187 = arith.constant 0 : i32
      %dma_wait3A_188 = arith.constant 768 : i32
      %dma_wait3A_189 = arith.constant 0 : i32
      %dma_wait3A_190 = tpu.memref_slice %arg6[%dma_wait3A_187, %dma_wait3A_188, %dma_wait3A_189] : memref<2x1024x32xf32, #tpu.memory_space<vmem>> -> memref<1x128x32xf32, #tpu.memory_space<vmem>>
      %dma_wait3A_191 = tpu.memref_squeeze %dma_wait3A_190 : memref<1x128x32xf32, #tpu.memory_space<vmem>> -> memref<128x32xf32, #tpu.memory_space<vmem>>
      %dma_wait3A_192 = arith.constant 768 : i32
      %dma_wait3A_193 = tpu.memref_slice %arg5[%dma_wait3A_186, %dma_wait3A_192] : memref<2x1024xi32, #tpu.memory_space<vmem>> -> memref<1x128xi32, #tpu.memory_space<vmem>>
      %dma_wait3A_194 = tpu.memref_squeeze %dma_wait3A_193 : memref<1x128xi32, #tpu.memory_space<vmem>> -> memref<128xi32, #tpu.memory_space<vmem>>
      %dma_wait3A_195 = arith.constant 0 : i32
      %dma_wait3A_196 = arith.constant 0 : i32
      %dma_wait3A_197 = tpu.memref_slice %arg3[%dma_wait3A_195, %dma_wait3A_196] : memref<1000000x32xf32, #tpu.memory_space<hbm>> -> memref<1000000x32xf32, #tpu.memory_space<hbm>>
      tpu.wait_indirect_dma semaphore(%arg7 : memref<!tpu.dma_semaphore, #tpu.memory_space<semaphore_mem>>) src(%dma_wait3A_197 : memref<1000000x32xf32, #tpu.memory_space<hbm>>) dst(%dma_wait3A_191 : memref<128x32xf32, #tpu.memory_space<vmem>>)
      %dma_wait3A_198 = arith.constant 0 : i32
      %dma_wait3A_199 = arith.constant 0 : i32
      %dma_wait3A_200 = arith.constant 896 : i32
      %dma_wait3A_201 = arith.constant 0 : i32
      %dma_wait3A_202 = tpu.memref_slice %arg6[%dma_wait3A_199, %dma_wait3A_200, %dma_wait3A_201] : memref<2x1024x32xf32, #tpu.memory_space<vmem>> -> memref<1x128x32xf32, #tpu.memory_space<vmem>>
      %dma_wait3A_203 = tpu.memref_squeeze %dma_wait3A_202 : memref<1x128x32xf32, #tpu.memory_space<vmem>> -> memref<128x32xf32, #tpu.memory_space<vmem>>
      %dma_wait3A_204 = arith.constant 896 : i32
      %dma_wait3A_205 = tpu.memref_slice %arg5[%dma_wait3A_198, %dma_wait3A_204] : memref<2x1024xi32, #tpu.memory_space<vmem>> -> memref<1x128xi32, #tpu.memory_space<vmem>>
      %dma_wait3A_206 = tpu.memref_squeeze %dma_wait3A_205 : memref<1x128xi32, #tpu.memory_space<vmem>> -> memref<128xi32, #tpu.memory_space<vmem>>
      %dma_wait3A_207 = arith.constant 0 : i32
      %dma_wait3A_208 = arith.constant 0 : i32
      %dma_wait3A_209 = tpu.memref_slice %arg3[%dma_wait3A_207, %dma_wait3A_208] : memref<1000000x32xf32, #tpu.memory_space<hbm>> -> memref<1000000x32xf32, #tpu.memory_space<hbm>>
      tpu.wait_indirect_dma semaphore(%arg7 : memref<!tpu.dma_semaphore, #tpu.memory_space<semaphore_mem>>) src(%dma_wait3A_209 : memref<1000000x32xf32, #tpu.memory_space<hbm>>) dst(%dma_wait3A_203 : memref<128x32xf32, #tpu.memory_space<vmem>>)
      %scan3A_210 = arith.constant 0 : i32
      %scan3A_211 = arith.constant 1024 : i32
      %scan3A_212 = arith.addi %scan3A_210, %scan3A_211 : i32
      %scan3A_213 = arith.constant 1 : i32
      scf.for %scan3A_333 = %scan3A_210 to %scan3A_212 step %scan3A_213  : i32 {
        %mul3A_334 = arith.constant 1 : i32
        %mul3A_335 = arith.muli %scan3A_333, %mul3A_334 : i32
        %add3A_336 = arith.constant 0 : i32
        %add3A_337 = arith.addi %add3A_336, %mul3A_335 : i32
        %get3A = arith.constant 0 : i32
        %get3A_338 = arith.index_cast %get3A : i32 to index
        %get3A_339 = arith.index_cast %add3A_337 : i32 to index
        %get3A_340 = arith.constant 0 : index
        %get3A_341 = tpu.vector_load %arg6[%get3A_338, %get3A_339, %get3A_340] {strides = array<i32>} : memref<2x1024x32xf32, #tpu.memory_space<vmem>>, vector<1x1x16xf32>,
        %get3A_342 = vector.shape_cast %get3A_341 : vector<1x1x16xf32> to vector<16xf32>
        %mul3A_343 = arith.constant 5.65685415 : f32
        %mul3A_344 = vector.broadcast %mul3A_343 : f32 to vector<16xf32>
        %mul3A_345 = arith.mulf %get3A_342, %mul3A_344 : vector<16xf32>
        %swap3A = arith.constant 0 : i32
        %swap3A_346 = arith.index_cast %swap3A : i32 to index
        %swap3A_347 = arith.index_cast %add3A_337 : i32 to index
        %swap3A_348 = arith.constant 0 : index
        %swap3A_349 = tpu.vector_load %arg6[%swap3A_346, %swap3A_347, %swap3A_348] {strides = array<i32>} : memref<2x1024x32xf32, #tpu.memory_space<vmem>>, vector<1x1x16xf32>,
        %swap3A_350 = vector.shape_cast %swap3A_349 : vector<1x1x16xf32> to vector<16xf32>
        %swap3A_351 = vector.shape_cast %mul3A_345 : vector<16xf32> to vector<1x1x16xf32>
        tpu.vector_store %arg6[%swap3A_346, %swap3A_347, %swap3A_348], %swap3A_351 {strides = array<i32>} : memref<2x1024x32xf32, #tpu.memory_space<vmem>>, vector<1x1x16xf32>,
        %get3A_352 = arith.constant 0 : i32
        %get3A_353 = arith.index_cast %get3A_352 : i32 to index
        %get3A_354 = arith.index_cast %add3A_337 : i32 to index
        %get3A_355 = arith.constant 16 : index
        %get3A_356 = tpu.vector_load %arg6[%get3A_353, %get3A_354, %get3A_355] {strides = array<i32>} : memref<2x1024x32xf32, #tpu.memory_space<vmem>>, vector<1x1x16xf32>,
        %get3A_357 = vector.shape_cast %get3A_356 : vector<1x1x16xf32> to vector<16xf32>
        %mul3A_358 = arith.constant 5.65685415 : f32
        %mul3A_359 = vector.broadcast %mul3A_358 : f32 to vector<16xf32>
        %mul3A_360 = arith.mulf %get3A_357, %mul3A_359 : vector<16xf32>
        %swap3A_361 = arith.constant 0 : i32
        %swap3A_362 = arith.index_cast %swap3A_361 : i32 to index
        %swap3A_363 = arith.index_cast %add3A_337 : i32 to index
        %swap3A_364 = arith.constant 16 : index
        %swap3A_365 = tpu.vector_load %arg6[%swap3A_362, %swap3A_363, %swap3A_364] {strides = array<i32>} : memref<2x1024x32xf32, #tpu.memory_space<vmem>>, vector<1x1x16xf32>,
        %swap3A_366 = vector.shape_cast %swap3A_365 : vector<1x1x16xf32> to vector<16xf32>
        %swap3A_367 = vector.shape_cast %mul3A_360 : vector<16xf32> to vector<1x1x16xf32>
        tpu.vector_store %arg6[%swap3A_362, %swap3A_363, %swap3A_364], %swap3A_367 {strides = array<i32>} : memref<2x1024x32xf32, #tpu.memory_space<vmem>>, vector<1x1x16xf32>,
      }
      %scan3A_214 = arith.constant 1024 : i32
      %mul3A_215 = arith.constant 1024 : i32
      %mul3A_216 = arith.muli %add3A_110, %mul3A_215 : i32
      %add3A_217 = arith.addi %mul3A_2, %mul3A_216 : i32
      %run_scoped3A_218 = arith.constant 0 : i32
      "tpu.region"() ({
        %run_scoped3A_333 = tpu.sem_alloc : memref<!tpu.dma_semaphore, #tpu.memory_space<semaphore_mem>>
        %dma_start3A_334 = arith.constant 0 : i32
        %dma_start3A_335 = arith.constant 0 : i32
        %dma_start3A_336 = tpu.memref_slice %arg6[%run_scoped3A_218, %dma_start3A_334, %dma_start3A_335] : memref<2x1024x32xf32, #tpu.memory_space<vmem>> -> memref<1x1024x32xf32, #tpu.memory_space<vmem>>
        %dma_start3A_337 = tpu.memref_squeeze %dma_start3A_336 : memref<1x1024x32xf32, #tpu.memory_space<vmem>> -> memref<1024x32xf32, #tpu.memory_space<vmem>>
        %dma_start3A_338 = arith.constant 0 : i32
        %dma_start3A_339 = tpu.memref_slice %arg4[%add3A_217, %dma_start3A_338] : memref<3276800x32xf32, #tpu.memory_space<hbm>> -> memref<1024x32xf32, #tpu.memory_space<hbm>>
        %dma_start3A_340 = arith.constant 0 : i32
        %dma_start3A_341 = tpu.memref_slice %arg4[%add3A_217, %dma_start3A_340] : memref<3276800x32xf32, #tpu.memory_space<hbm>> -> memref<1024x32xf32, #tpu.memory_space<hbm>>
        %dma_start3A_342 = arith.constant 0 : i32
        %dma_start3A_343 = arith.constant 0 : i32
        %dma_start3A_344 = tpu.memref_slice %arg6[%run_scoped3A_218, %dma_start3A_342, %dma_start3A_343] : memref<2x1024x32xf32, #tpu.memory_space<vmem>> -> memref<1x1024x32xf32, #tpu.memory_space<vmem>>
        %dma_start3A_345 = tpu.memref_squeeze %dma_start3A_344 : memref<1x1024x32xf32, #tpu.memory_space<vmem>> -> memref<1024x32xf32, #tpu.memory_space<vmem>>
        tpu.enqueue_dma source(%dma_start3A_345 : memref<1024x32xf32, #tpu.memory_space<vmem>>) target(%dma_start3A_341 : memref<1024x32xf32, #tpu.memory_space<hbm>>) target_semaphore(%run_scoped3A_333 : memref<!tpu.dma_semaphore, #tpu.memory_space<semaphore_mem>>)
        %dma_wait3A_346 = arith.constant 0 : i32
        %dma_wait3A_347 = arith.constant 0 : i32
        %dma_wait3A_348 = tpu.memref_slice %arg6[%run_scoped3A_218, %dma_wait3A_346, %dma_wait3A_347] : memref<2x1024x32xf32, #tpu.memory_space<vmem>> -> memref<1x1024x32xf32, #tpu.memory_space<vmem>>
        %dma_wait3A_349 = tpu.memref_squeeze %dma_wait3A_348 : memref<1x1024x32xf32, #tpu.memory_space<vmem>> -> memref<1024x32xf32, #tpu.memory_space<vmem>>
        %dma_wait3A_350 = arith.constant 0 : i32
        %dma_wait3A_351 = tpu.memref_slice %arg4[%add3A_217, %dma_wait3A_350] : memref<3276800x32xf32, #tpu.memory_space<hbm>> -> memref<1024x32xf32, #tpu.memory_space<hbm>>
        %dma_wait3A_352 = arith.constant 0 : i32
        %dma_wait3A_353 = tpu.memref_slice %arg4[%add3A_217, %dma_wait3A_352] : memref<3276800x32xf32, #tpu.memory_space<hbm>> -> memref<1024x32xf32, #tpu.memory_space<hbm>>
        %dma_wait3A_354 = arith.constant 0 : i32
        %dma_wait3A_355 = arith.constant 0 : i32
        %dma_wait3A_356 = tpu.memref_slice %arg6[%run_scoped3A_218, %dma_wait3A_354, %dma_wait3A_355] : memref<2x1024x32xf32, #tpu.memory_space<vmem>> -> memref<1x1024x32xf32, #tpu.memory_space<vmem>>
        %dma_wait3A_357 = tpu.memref_squeeze %dma_wait3A_356 : memref<1x1024x32xf32, #tpu.memory_space<vmem>> -> memref<1024x32xf32, #tpu.memory_space<vmem>>
        tpu.wait_dma2 semaphore(%run_scoped3A_333 : memref<!tpu.dma_semaphore, #tpu.memory_space<semaphore_mem>>) src(%dma_wait3A_357 : memref<1024x32xf32, #tpu.memory_space<vmem>>) dst(%dma_wait3A_353 : memref<1024x32xf32, #tpu.memory_space<hbm>>)
        tpu.yield
      }) : () -> ()
      %add3A_219 = arith.constant 1 : i32
      %add3A_220 = arith.addi %add3A_108, %add3A_219 : i32
      %add3A_221 = arith.constant 1 : i32
      %add3A_222 = arith.addi %add3A_220, %add3A_221 : i32
      %lt3A_223 = arith.constant 100 : i32
      %lt3A_224 = arith.cmpi slt, %add3A_222, %lt3A_223 : i32
      %convert_element_type3A_225 = arith.extui %lt3A_224 : i1 to i32
      %cond3A_226 = arith.constant 0 : i32
      %cond3A_227 = arith.cmpi ne, %convert_element_type3A_225, %cond3A_226 : i32
      scf.if %cond3A_227 {
        %add3A_333 = arith.constant 1 : i32
        %add3A_334 = arith.addi %add3A_220, %add3A_333 : i32
        %mul3A_335 = arith.constant 1024 : i32
        %mul3A_336 = arith.muli %add3A_334, %mul3A_335 : i32
        %add3A_337 = arith.addi %mul3A_2, %mul3A_336 : i32
        %run_scoped3A_338 = arith.constant 0 : i32
        "tpu.region"() ({
          %run_scoped3A_435 = tpu.sem_alloc : memref<!tpu.dma_semaphore, #tpu.memory_space<semaphore_mem>>
          %dma_start3A_436 = arith.constant 0 : i32
          %dma_start3A_437 = tpu.memref_slice %arg5[%run_scoped3A_338, %dma_start3A_436] : memref<2x1024xi32, #tpu.memory_space<vmem>> -> memref<1x1024xi32, #tpu.memory_space<vmem>>
          %dma_start3A_438 = tpu.memref_squeeze %dma_start3A_437 : memref<1x1024xi32, #tpu.memory_space<vmem>> -> memref<1024xi32, #tpu.memory_space<vmem>>
          %dma_start3A_439 = tpu.memref_slice %arg2[%add3A_337] : memref<3276800xi32, #tpu.memory_space<hbm>> -> memref<1024xi32, #tpu.memory_space<hbm>>
          %dma_start3A_440 = arith.constant 0 : i32
          %dma_start3A_441 = tpu.memref_slice %arg5[%run_scoped3A_338, %dma_start3A_440] : memref<2x1024xi32, #tpu.memory_space<vmem>> -> memref<1x1024xi32, #tpu.memory_space<vmem>>
          %dma_start3A_442 = tpu.memref_squeeze %dma_start3A_441 : memref<1x1024xi32, #tpu.memory_space<vmem>> -> memref<1024xi32, #tpu.memory_space<vmem>>
          %dma_start3A_443 = tpu.memref_slice %arg2[%add3A_337] : memref<3276800xi32, #tpu.memory_space<hbm>> -> memref<1024xi32, #tpu.memory_space<hbm>>
          tpu.enqueue_dma source(%dma_start3A_443 : memref<1024xi32, #tpu.memory_space<hbm>>) target(%dma_start3A_442 : memref<1024xi32, #tpu.memory_space<vmem>>) target_semaphore(%run_scoped3A_435 : memref<!tpu.dma_semaphore, #tpu.memory_space<semaphore_mem>>)
          %dma_wait3A_444 = arith.constant 0 : i32
          %dma_wait3A_445 = tpu.memref_slice %arg5[%run_scoped3A_338, %dma_wait3A_444] : memref<2x1024xi32, #tpu.memory_space<vmem>> -> memref<1x1024xi32, #tpu.memory_space<vmem>>
          %dma_wait3A_446 = tpu.memref_squeeze %dma_wait3A_445 : memref<1x1024xi32, #tpu.memory_space<vmem>> -> memref<1024xi32, #tpu.memory_space<vmem>>
          %dma_wait3A_447 = tpu.memref_slice %arg2[%add3A_337] : memref<3276800xi32, #tpu.memory_space<hbm>> -> memref<1024xi32, #tpu.memory_space<hbm>>
          %dma_wait3A_448 = arith.constant 0 : i32
          %dma_wait3A_449 = tpu.memref_slice %arg5[%run_scoped3A_338, %dma_wait3A_448] : memref<2x1024xi32, #tpu.memory_space<vmem>> -> memref<1x1024xi32, #tpu.memory_space<vmem>>
          %dma_wait3A_450 = tpu.memref_squeeze %dma_wait3A_449 : memref<1x1024xi32, #tpu.memory_space<vmem>> -> memref<1024xi32, #tpu.memory_space<vmem>>
          %dma_wait3A_451 = tpu.memref_slice %arg2[%add3A_337] : memref<3276800xi32, #tpu.memory_space<hbm>> -> memref<1024xi32, #tpu.memory_space<hbm>>
          tpu.wait_dma2 semaphore(%run_scoped3A_435 : memref<!tpu.dma_semaphore, #tpu.memory_space<semaphore_mem>>) src(%dma_wait3A_451 : memref<1024xi32, #tpu.memory_space<hbm>>) dst(%dma_wait3A_450 : memref<1024xi32, #tpu.memory_space<vmem>>)
          tpu.yield
        }) : () -> ()
        %dma_start3A_339 = arith.constant 0 : i32
        %dma_start3A_340 = arith.constant 0 : i32
        %dma_start3A_341 = arith.constant 0 : i32
        %dma_start3A_342 = arith.constant 0 : i32
        %dma_start3A_343 = tpu.memref_slice %arg6[%dma_start3A_340, %dma_start3A_341, %dma_start3A_342] : memref<2x1024x32xf32, #tpu.memory_space<vmem>> -> memref<1x128x32xf32, #tpu.memory_space<vmem>>
        %dma_start3A_344 = tpu.memref_squeeze %dma_start3A_343 : memref<1x128x32xf32, #tpu.memory_space<vmem>> -> memref<128x32xf32, #tpu.memory_space<vmem>>
        %dma_start3A_345 = arith.constant 0 : i32
        %dma_start3A_346 = tpu.memref_slice %arg5[%dma_start3A_339, %dma_start3A_345] : memref<2x1024xi32, #tpu.memory_space<vmem>> -> memref<1x128xi32, #tpu.memory_space<vmem>>
        %dma_start3A_347 = tpu.memref_squeeze %dma_start3A_346 : memref<1x128xi32, #tpu.memory_space<vmem>> -> memref<128xi32, #tpu.memory_space<vmem>>
        %dma_start3A_348 = arith.constant 0 : i32
        %dma_start3A_349 = arith.constant 0 : i32
        %dma_start3A_350 = tpu.memref_slice %arg3[%dma_start3A_348, %dma_start3A_349] : memref<1000000x32xf32, #tpu.memory_space<hbm>> -> memref<1000000x32xf32, #tpu.memory_space<hbm>>
        tpu.enqueue_indirect_dma source(%dma_start3A_350 : memref<1000000x32xf32, #tpu.memory_space<hbm>>) target(%dma_start3A_344 : memref<128x32xf32, #tpu.memory_space<vmem>>) offsets(%dma_start3A_347 : memref<128xi32, #tpu.memory_space<vmem>>) semaphore(%arg7 : memref<!tpu.dma_semaphore, #tpu.memory_space<semaphore_mem>>)
        %dma_start3A_351 = arith.constant 0 : i32
        %dma_start3A_352 = arith.constant 0 : i32
        %dma_start3A_353 = arith.constant 128 : i32
        %dma_start3A_354 = arith.constant 0 : i32
        %dma_start3A_355 = tpu.memref_slice %arg6[%dma_start3A_352, %dma_start3A_353, %dma_start3A_354] : memref<2x1024x32xf32, #tpu.memory_space<vmem>> -> memref<1x128x32xf32, #tpu.memory_space<vmem>>
        %dma_start3A_356 = tpu.memref_squeeze %dma_start3A_355 : memref<1x128x32xf32, #tpu.memory_space<vmem>> -> memref<128x32xf32, #tpu.memory_space<vmem>>
        %dma_start3A_357 = arith.constant 128 : i32
        %dma_start3A_358 = tpu.memref_slice %arg5[%dma_start3A_351, %dma_start3A_357] : memref<2x1024xi32, #tpu.memory_space<vmem>> -> memref<1x128xi32, #tpu.memory_space<vmem>>
        %dma_start3A_359 = tpu.memref_squeeze %dma_start3A_358 : memref<1x128xi32, #tpu.memory_space<vmem>> -> memref<128xi32, #tpu.memory_space<vmem>>
        %dma_start3A_360 = arith.constant 0 : i32
        %dma_start3A_361 = arith.constant 0 : i32
        %dma_start3A_362 = tpu.memref_slice %arg3[%dma_start3A_360, %dma_start3A_361] : memref<1000000x32xf32, #tpu.memory_space<hbm>> -> memref<1000000x32xf32, #tpu.memory_space<hbm>>
        tpu.enqueue_indirect_dma source(%dma_start3A_362 : memref<1000000x32xf32, #tpu.memory_space<hbm>>) target(%dma_start3A_356 : memref<128x32xf32, #tpu.memory_space<vmem>>) offsets(%dma_start3A_359 : memref<128xi32, #tpu.memory_space<vmem>>) semaphore(%arg7 : memref<!tpu.dma_semaphore, #tpu.memory_space<semaphore_mem>>)
        %dma_start3A_363 = arith.constant 0 : i32
        %dma_start3A_364 = arith.constant 0 : i32
        %dma_start3A_365 = arith.constant 256 : i32
        %dma_start3A_366 = arith.constant 0 : i32
        %dma_start3A_367 = tpu.memref_slice %arg6[%dma_start3A_364, %dma_start3A_365, %dma_start3A_366] : memref<2x1024x32xf32, #tpu.memory_space<vmem>> -> memref<1x128x32xf32, #tpu.memory_space<vmem>>
        %dma_start3A_368 = tpu.memref_squeeze %dma_start3A_367 : memref<1x128x32xf32, #tpu.memory_space<vmem>> -> memref<128x32xf32, #tpu.memory_space<vmem>>
        %dma_start3A_369 = arith.constant 256 : i32
        %dma_start3A_370 = tpu.memref_slice %arg5[%dma_start3A_363, %dma_start3A_369] : memref<2x1024xi32, #tpu.memory_space<vmem>> -> memref<1x128xi32, #tpu.memory_space<vmem>>
        %dma_start3A_371 = tpu.memref_squeeze %dma_start3A_370 : memref<1x128xi32, #tpu.memory_space<vmem>> -> memref<128xi32, #tpu.memory_space<vmem>>
        %dma_start3A_372 = arith.constant 0 : i32
        %dma_start3A_373 = arith.constant 0 : i32
        %dma_start3A_374 = tpu.memref_slice %arg3[%dma_start3A_372, %dma_start3A_373] : memref<1000000x32xf32, #tpu.memory_space<hbm>> -> memref<1000000x32xf32, #tpu.memory_space<hbm>>
        tpu.enqueue_indirect_dma source(%dma_start3A_374 : memref<1000000x32xf32, #tpu.memory_space<hbm>>) target(%dma_start3A_368 : memref<128x32xf32, #tpu.memory_space<vmem>>) offsets(%dma_start3A_371 : memref<128xi32, #tpu.memory_space<vmem>>) semaphore(%arg7 : memref<!tpu.dma_semaphore, #tpu.memory_space<semaphore_mem>>)
        %dma_start3A_375 = arith.constant 0 : i32
        %dma_start3A_376 = arith.constant 0 : i32
        %dma_start3A_377 = arith.constant 384 : i32
        %dma_start3A_378 = arith.constant 0 : i32
        %dma_start3A_379 = tpu.memref_slice %arg6[%dma_start3A_376, %dma_start3A_377, %dma_start3A_378] : memref<2x1024x32xf32, #tpu.memory_space<vmem>> -> memref<1x128x32xf32, #tpu.memory_space<vmem>>
        %dma_start3A_380 = tpu.memref_squeeze %dma_start3A_379 : memref<1x128x32xf32, #tpu.memory_space<vmem>> -> memref<128x32xf32, #tpu.memory_space<vmem>>
        %dma_start3A_381 = arith.constant 384 : i32
        %dma_start3A_382 = tpu.memref_slice %arg5[%dma_start3A_375, %dma_start3A_381] : memref<2x1024xi32, #tpu.memory_space<vmem>> -> memref<1x128xi32, #tpu.memory_space<vmem>>
        %dma_start3A_383 = tpu.memref_squeeze %dma_start3A_382 : memref<1x128xi32, #tpu.memory_space<vmem>> -> memref<128xi32, #tpu.memory_space<vmem>>
        %dma_start3A_384 = arith.constant 0 : i32
        %dma_start3A_385 = arith.constant 0 : i32
        %dma_start3A_386 = tpu.memref_slice %arg3[%dma_start3A_384, %dma_start3A_385] : memref<1000000x32xf32, #tpu.memory_space<hbm>> -> memref<1000000x32xf32, #tpu.memory_space<hbm>>
        tpu.enqueue_indirect_dma source(%dma_start3A_386 : memref<1000000x32xf32, #tpu.memory_space<hbm>>) target(%dma_start3A_380 : memref<128x32xf32, #tpu.memory_space<vmem>>) offsets(%dma_start3A_383 : memref<128xi32, #tpu.memory_space<vmem>>) semaphore(%arg7 : memref<!tpu.dma_semaphore, #tpu.memory_space<semaphore_mem>>)
        %dma_start3A_387 = arith.constant 0 : i32
        %dma_start3A_388 = arith.constant 0 : i32
        %dma_start3A_389 = arith.constant 512 : i32
        %dma_start3A_390 = arith.constant 0 : i32
        %dma_start3A_391 = tpu.memref_slice %arg6[%dma_start3A_388, %dma_start3A_389, %dma_start3A_390] : memref<2x1024x32xf32, #tpu.memory_space<vmem>> -> memref<1x128x32xf32, #tpu.memory_space<vmem>>
        %dma_start3A_392 = tpu.memref_squeeze %dma_start3A_391 : memref<1x128x32xf32, #tpu.memory_space<vmem>> -> memref<128x32xf32, #tpu.memory_space<vmem>>
        %dma_start3A_393 = arith.constant 512 : i32
        %dma_start3A_394 = tpu.memref_slice %arg5[%dma_start3A_387, %dma_start3A_393] : memref<2x1024xi32, #tpu.memory_space<vmem>> -> memref<1x128xi32, #tpu.memory_space<vmem>>
        %dma_start3A_395 = tpu.memref_squeeze %dma_start3A_394 : memref<1x128xi32, #tpu.memory_space<vmem>> -> memref<128xi32, #tpu.memory_space<vmem>>
        %dma_start3A_396 = arith.constant 0 : i32
        %dma_start3A_397 = arith.constant 0 : i32
        %dma_start3A_398 = tpu.memref_slice %arg3[%dma_start3A_396, %dma_start3A_397] : memref<1000000x32xf32, #tpu.memory_space<hbm>> -> memref<1000000x32xf32, #tpu.memory_space<hbm>>
        tpu.enqueue_indirect_dma source(%dma_start3A_398 : memref<1000000x32xf32, #tpu.memory_space<hbm>>) target(%dma_start3A_392 : memref<128x32xf32, #tpu.memory_space<vmem>>) offsets(%dma_start3A_395 : memref<128xi32, #tpu.memory_space<vmem>>) semaphore(%arg7 : memref<!tpu.dma_semaphore, #tpu.memory_space<semaphore_mem>>)
        %dma_start3A_399 = arith.constant 0 : i32
        %dma_start3A_400 = arith.constant 0 : i32
        %dma_start3A_401 = arith.constant 640 : i32
        %dma_start3A_402 = arith.constant 0 : i32
        %dma_start3A_403 = tpu.memref_slice %arg6[%dma_start3A_400, %dma_start3A_401, %dma_start3A_402] : memref<2x1024x32xf32, #tpu.memory_space<vmem>> -> memref<1x128x32xf32, #tpu.memory_space<vmem>>
        %dma_start3A_404 = tpu.memref_squeeze %dma_start3A_403 : memref<1x128x32xf32, #tpu.memory_space<vmem>> -> memref<128x32xf32, #tpu.memory_space<vmem>>
        %dma_start3A_405 = arith.constant 640 : i32
        %dma_start3A_406 = tpu.memref_slice %arg5[%dma_start3A_399, %dma_start3A_405] : memref<2x1024xi32, #tpu.memory_space<vmem>> -> memref<1x128xi32, #tpu.memory_space<vmem>>
        %dma_start3A_407 = tpu.memref_squeeze %dma_start3A_406 : memref<1x128xi32, #tpu.memory_space<vmem>> -> memref<128xi32, #tpu.memory_space<vmem>>
        %dma_start3A_408 = arith.constant 0 : i32
        %dma_start3A_409 = arith.constant 0 : i32
        %dma_start3A_410 = tpu.memref_slice %arg3[%dma_start3A_408, %dma_start3A_409] : memref<1000000x32xf32, #tpu.memory_space<hbm>> -> memref<1000000x32xf32, #tpu.memory_space<hbm>>
        tpu.enqueue_indirect_dma source(%dma_start3A_410 : memref<1000000x32xf32, #tpu.memory_space<hbm>>) target(%dma_start3A_404 : memref<128x32xf32, #tpu.memory_space<vmem>>) offsets(%dma_start3A_407 : memref<128xi32, #tpu.memory_space<vmem>>) semaphore(%arg7 : memref<!tpu.dma_semaphore, #tpu.memory_space<semaphore_mem>>)
        %dma_start3A_411 = arith.constant 0 : i32
        %dma_start3A_412 = arith.constant 0 : i32
        %dma_start3A_413 = arith.constant 768 : i32
        %dma_start3A_414 = arith.constant 0 : i32
        %dma_start3A_415 = tpu.memref_slice %arg6[%dma_start3A_412, %dma_start3A_413, %dma_start3A_414] : memref<2x1024x32xf32, #tpu.memory_space<vmem>> -> memref<1x128x32xf32, #tpu.memory_space<vmem>>
        %dma_start3A_416 = tpu.memref_squeeze %dma_start3A_415 : memref<1x128x32xf32, #tpu.memory_space<vmem>> -> memref<128x32xf32, #tpu.memory_space<vmem>>
        %dma_start3A_417 = arith.constant 768 : i32
        %dma_start3A_418 = tpu.memref_slice %arg5[%dma_start3A_411, %dma_start3A_417] : memref<2x1024xi32, #tpu.memory_space<vmem>> -> memref<1x128xi32, #tpu.memory_space<vmem>>
        %dma_start3A_419 = tpu.memref_squeeze %dma_start3A_418 : memref<1x128xi32, #tpu.memory_space<vmem>> -> memref<128xi32, #tpu.memory_space<vmem>>
        %dma_start3A_420 = arith.constant 0 : i32
        %dma_start3A_421 = arith.constant 0 : i32
        %dma_start3A_422 = tpu.memref_slice %arg3[%dma_start3A_420, %dma_start3A_421] : memref<1000000x32xf32, #tpu.memory_space<hbm>> -> memref<1000000x32xf32, #tpu.memory_space<hbm>>
        tpu.enqueue_indirect_dma source(%dma_start3A_422 : memref<1000000x32xf32, #tpu.memory_space<hbm>>) target(%dma_start3A_416 : memref<128x32xf32, #tpu.memory_space<vmem>>) offsets(%dma_start3A_419 : memref<128xi32, #tpu.memory_space<vmem>>) semaphore(%arg7 : memref<!tpu.dma_semaphore, #tpu.memory_space<semaphore_mem>>)
        %dma_start3A_423 = arith.constant 0 : i32
        %dma_start3A_424 = arith.constant 0 : i32
        %dma_start3A_425 = arith.constant 896 : i32
        %dma_start3A_426 = arith.constant 0 : i32
        %dma_start3A_427 = tpu.memref_slice %arg6[%dma_start3A_424, %dma_start3A_425, %dma_start3A_426] : memref<2x1024x32xf32, #tpu.memory_space<vmem>> -> memref<1x128x32xf32, #tpu.memory_space<vmem>>
        %dma_start3A_428 = tpu.memref_squeeze %dma_start3A_427 : memref<1x128x32xf32, #tpu.memory_space<vmem>> -> memref<128x32xf32, #tpu.memory_space<vmem>>
        %dma_start3A_429 = arith.constant 896 : i32
        %dma_start3A_430 = tpu.memref_slice %arg5[%dma_start3A_423, %dma_start3A_429] : memref<2x1024xi32, #tpu.memory_space<vmem>> -> memref<1x128xi32, #tpu.memory_space<vmem>>
        %dma_start3A_431 = tpu.memref_squeeze %dma_start3A_430 : memref<1x128xi32, #tpu.memory_space<vmem>> -> memref<128xi32, #tpu.memory_space<vmem>>
        %dma_start3A_432 = arith.constant 0 : i32
        %dma_start3A_433 = arith.constant 0 : i32
        %dma_start3A_434 = tpu.memref_slice %arg3[%dma_start3A_432, %dma_start3A_433] : memref<1000000x32xf32, #tpu.memory_space<hbm>> -> memref<1000000x32xf32, #tpu.memory_space<hbm>>
        tpu.enqueue_indirect_dma source(%dma_start3A_434 : memref<1000000x32xf32, #tpu.memory_space<hbm>>) target(%dma_start3A_428 : memref<128x32xf32, #tpu.memory_space<vmem>>) offsets(%dma_start3A_431 : memref<128xi32, #tpu.memory_space<vmem>>) semaphore(%arg7 : memref<!tpu.dma_semaphore, #tpu.memory_space<semaphore_mem>>)
      } else {
      }
      %dma_wait3A_228 = arith.constant 1 : i32
      %dma_wait3A_229 = arith.constant 1 : i32
      %dma_wait3A_230 = arith.constant 0 : i32
      %dma_wait3A_231 = arith.constant 0 : i32
      %dma_wait3A_232 = tpu.memref_slice %arg6[%dma_wait3A_229, %dma_wait3A_230, %dma_wait3A_231] : memref<2x1024x32xf32, #tpu.memory_space<vmem>> -> memref<1x128x32xf32, #tpu.memory_space<vmem>>
      %dma_wait3A_233 = tpu.memref_squeeze %dma_wait3A_232 : memref<1x128x32xf32, #tpu.memory_space<vmem>> -> memref<128x32xf32, #tpu.memory_space<vmem>>
      %dma_wait3A_234 = arith.constant 0 : i32
      %dma_wait3A_235 = tpu.memref_slice %arg5[%dma_wait3A_228, %dma_wait3A_234] : memref<2x1024xi32, #tpu.memory_space<vmem>> -> memref<1x128xi32, #tpu.memory_space<vmem>>
      %dma_wait3A_236 = tpu.memref_squeeze %dma_wait3A_235 : memref<1x128xi32, #tpu.memory_space<vmem>> -> memref<128xi32, #tpu.memory_space<vmem>>
      %dma_wait3A_237 = arith.constant 0 : i32
      %dma_wait3A_238 = arith.constant 0 : i32
      %dma_wait3A_239 = tpu.memref_slice %arg3[%dma_wait3A_237, %dma_wait3A_238] : memref<1000000x32xf32, #tpu.memory_space<hbm>> -> memref<1000000x32xf32, #tpu.memory_space<hbm>>
      tpu.wait_indirect_dma semaphore(%arg8 : memref<!tpu.dma_semaphore, #tpu.memory_space<semaphore_mem>>) src(%dma_wait3A_239 : memref<1000000x32xf32, #tpu.memory_space<hbm>>) dst(%dma_wait3A_233 : memref<128x32xf32, #tpu.memory_space<vmem>>)
      %dma_wait3A_240 = arith.constant 1 : i32
      %dma_wait3A_241 = arith.constant 1 : i32
      %dma_wait3A_242 = arith.constant 128 : i32
      %dma_wait3A_243 = arith.constant 0 : i32
      %dma_wait3A_244 = tpu.memref_slice %arg6[%dma_wait3A_241, %dma_wait3A_242, %dma_wait3A_243] : memref<2x1024x32xf32, #tpu.memory_space<vmem>> -> memref<1x128x32xf32, #tpu.memory_space<vmem>>
      %dma_wait3A_245 = tpu.memref_squeeze %dma_wait3A_244 : memref<1x128x32xf32, #tpu.memory_space<vmem>> -> memref<128x32xf32, #tpu.memory_space<vmem>>
      %dma_wait3A_246 = arith.constant 128 : i32
      %dma_wait3A_247 = tpu.memref_slice %arg5[%dma_wait3A_240, %dma_wait3A_246] : memref<2x1024xi32, #tpu.memory_space<vmem>> -> memref<1x128xi32, #tpu.memory_space<vmem>>
      %dma_wait3A_248 = tpu.memref_squeeze %dma_wait3A_247 : memref<1x128xi32, #tpu.memory_space<vmem>> -> memref<128xi32, #tpu.memory_space<vmem>>
      %dma_wait3A_249 = arith.constant 0 : i32
      %dma_wait3A_250 = arith.constant 0 : i32
      %dma_wait3A_251 = tpu.memref_slice %arg3[%dma_wait3A_249, %dma_wait3A_250] : memref<1000000x32xf32, #tpu.memory_space<hbm>> -> memref<1000000x32xf32, #tpu.memory_space<hbm>>
      tpu.wait_indirect_dma semaphore(%arg8 : memref<!tpu.dma_semaphore, #tpu.memory_space<semaphore_mem>>) src(%dma_wait3A_251 : memref<1000000x32xf32, #tpu.memory_space<hbm>>) dst(%dma_wait3A_245 : memref<128x32xf32, #tpu.memory_space<vmem>>)
      %dma_wait3A_252 = arith.constant 1 : i32
      %dma_wait3A_253 = arith.constant 1 : i32
      %dma_wait3A_254 = arith.constant 256 : i32
      %dma_wait3A_255 = arith.constant 0 : i32
      %dma_wait3A_256 = tpu.memref_slice %arg6[%dma_wait3A_253, %dma_wait3A_254, %dma_wait3A_255] : memref<2x1024x32xf32, #tpu.memory_space<vmem>> -> memref<1x128x32xf32, #tpu.memory_space<vmem>>
      %dma_wait3A_257 = tpu.memref_squeeze %dma_wait3A_256 : memref<1x128x32xf32, #tpu.memory_space<vmem>> -> memref<128x32xf32, #tpu.memory_space<vmem>>
      %dma_wait3A_258 = arith.constant 256 : i32
      %dma_wait3A_259 = tpu.memref_slice %arg5[%dma_wait3A_252, %dma_wait3A_258] : memref<2x1024xi32, #tpu.memory_space<vmem>> -> memref<1x128xi32, #tpu.memory_space<vmem>>
      %dma_wait3A_260 = tpu.memref_squeeze %dma_wait3A_259 : memref<1x128xi32, #tpu.memory_space<vmem>> -> memref<128xi32, #tpu.memory_space<vmem>>
      %dma_wait3A_261 = arith.constant 0 : i32
      %dma_wait3A_262 = arith.constant 0 : i32
      %dma_wait3A_263 = tpu.memref_slice %arg3[%dma_wait3A_261, %dma_wait3A_262] : memref<1000000x32xf32, #tpu.memory_space<hbm>> -> memref<1000000x32xf32, #tpu.memory_space<hbm>>
      tpu.wait_indirect_dma semaphore(%arg8 : memref<!tpu.dma_semaphore, #tpu.memory_space<semaphore_mem>>) src(%dma_wait3A_263 : memref<1000000x32xf32, #tpu.memory_space<hbm>>) dst(%dma_wait3A_257 : memref<128x32xf32, #tpu.memory_space<vmem>>)
      %dma_wait3A_264 = arith.constant 1 : i32
      %dma_wait3A_265 = arith.constant 1 : i32
      %dma_wait3A_266 = arith.constant 384 : i32
      %dma_wait3A_267 = arith.constant 0 : i32
      %dma_wait3A_268 = tpu.memref_slice %arg6[%dma_wait3A_265, %dma_wait3A_266, %dma_wait3A_267] : memref<2x1024x32xf32, #tpu.memory_space<vmem>> -> memref<1x128x32xf32, #tpu.memory_space<vmem>>
      %dma_wait3A_269 = tpu.memref_squeeze %dma_wait3A_268 : memref<1x128x32xf32, #tpu.memory_space<vmem>> -> memref<128x32xf32, #tpu.memory_space<vmem>>
      %dma_wait3A_270 = arith.constant 384 : i32
      %dma_wait3A_271 = tpu.memref_slice %arg5[%dma_wait3A_264, %dma_wait3A_270] : memref<2x1024xi32, #tpu.memory_space<vmem>> -> memref<1x128xi32, #tpu.memory_space<vmem>>
      %dma_wait3A_272 = tpu.memref_squeeze %dma_wait3A_271 : memref<1x128xi32, #tpu.memory_space<vmem>> -> memref<128xi32, #tpu.memory_space<vmem>>
      %dma_wait3A_273 = arith.constant 0 : i32
      %dma_wait3A_274 = arith.constant 0 : i32
      %dma_wait3A_275 = tpu.memref_slice %arg3[%dma_wait3A_273, %dma_wait3A_274] : memref<1000000x32xf32, #tpu.memory_space<hbm>> -> memref<1000000x32xf32, #tpu.memory_space<hbm>>
      tpu.wait_indirect_dma semaphore(%arg8 : memref<!tpu.dma_semaphore, #tpu.memory_space<semaphore_mem>>) src(%dma_wait3A_275 : memref<1000000x32xf32, #tpu.memory_space<hbm>>) dst(%dma_wait3A_269 : memref<128x32xf32, #tpu.memory_space<vmem>>)
      %dma_wait3A_276 = arith.constant 1 : i32
      %dma_wait3A_277 = arith.constant 1 : i32
      %dma_wait3A_278 = arith.constant 512 : i32
      %dma_wait3A_279 = arith.constant 0 : i32
      %dma_wait3A_280 = tpu.memref_slice %arg6[%dma_wait3A_277, %dma_wait3A_278, %dma_wait3A_279] : memref<2x1024x32xf32, #tpu.memory_space<vmem>> -> memref<1x128x32xf32, #tpu.memory_space<vmem>>
      %dma_wait3A_281 = tpu.memref_squeeze %dma_wait3A_280 : memref<1x128x32xf32, #tpu.memory_space<vmem>> -> memref<128x32xf32, #tpu.memory_space<vmem>>
      %dma_wait3A_282 = arith.constant 512 : i32
      %dma_wait3A_283 = tpu.memref_slice %arg5[%dma_wait3A_276, %dma_wait3A_282] : memref<2x1024xi32, #tpu.memory_space<vmem>> -> memref<1x128xi32, #tpu.memory_space<vmem>>
      %dma_wait3A_284 = tpu.memref_squeeze %dma_wait3A_283 : memref<1x128xi32, #tpu.memory_space<vmem>> -> memref<128xi32, #tpu.memory_space<vmem>>
      %dma_wait3A_285 = arith.constant 0 : i32
      %dma_wait3A_286 = arith.constant 0 : i32
      %dma_wait3A_287 = tpu.memref_slice %arg3[%dma_wait3A_285, %dma_wait3A_286] : memref<1000000x32xf32, #tpu.memory_space<hbm>> -> memref<1000000x32xf32, #tpu.memory_space<hbm>>
      tpu.wait_indirect_dma semaphore(%arg8 : memref<!tpu.dma_semaphore, #tpu.memory_space<semaphore_mem>>) src(%dma_wait3A_287 : memref<1000000x32xf32, #tpu.memory_space<hbm>>) dst(%dma_wait3A_281 : memref<128x32xf32, #tpu.memory_space<vmem>>)
      %dma_wait3A_288 = arith.constant 1 : i32
      %dma_wait3A_289 = arith.constant 1 : i32
      %dma_wait3A_290 = arith.constant 640 : i32
      %dma_wait3A_291 = arith.constant 0 : i32
      %dma_wait3A_292 = tpu.memref_slice %arg6[%dma_wait3A_289, %dma_wait3A_290, %dma_wait3A_291] : memref<2x1024x32xf32, #tpu.memory_space<vmem>> -> memref<1x128x32xf32, #tpu.memory_space<vmem>>
      %dma_wait3A_293 = tpu.memref_squeeze %dma_wait3A_292 : memref<1x128x32xf32, #tpu.memory_space<vmem>> -> memref<128x32xf32, #tpu.memory_space<vmem>>
      %dma_wait3A_294 = arith.constant 640 : i32
      %dma_wait3A_295 = tpu.memref_slice %arg5[%dma_wait3A_288, %dma_wait3A_294] : memref<2x1024xi32, #tpu.memory_space<vmem>> -> memref<1x128xi32, #tpu.memory_space<vmem>>
      %dma_wait3A_296 = tpu.memref_squeeze %dma_wait3A_295 : memref<1x128xi32, #tpu.memory_space<vmem>> -> memref<128xi32, #tpu.memory_space<vmem>>
      %dma_wait3A_297 = arith.constant 0 : i32
      %dma_wait3A_298 = arith.constant 0 : i32
      %dma_wait3A_299 = tpu.memref_slice %arg3[%dma_wait3A_297, %dma_wait3A_298] : memref<1000000x32xf32, #tpu.memory_space<hbm>> -> memref<1000000x32xf32, #tpu.memory_space<hbm>>
      tpu.wait_indirect_dma semaphore(%arg8 : memref<!tpu.dma_semaphore, #tpu.memory_space<semaphore_mem>>) src(%dma_wait3A_299 : memref<1000000x32xf32, #tpu.memory_space<hbm>>) dst(%dma_wait3A_293 : memref<128x32xf32, #tpu.memory_space<vmem>>)
      %dma_wait3A_300 = arith.constant 1 : i32
      %dma_wait3A_301 = arith.constant 1 : i32
      %dma_wait3A_302 = arith.constant 768 : i32
      %dma_wait3A_303 = arith.constant 0 : i32
      %dma_wait3A_304 = tpu.memref_slice %arg6[%dma_wait3A_301, %dma_wait3A_302, %dma_wait3A_303] : memref<2x1024x32xf32, #tpu.memory_space<vmem>> -> memref<1x128x32xf32, #tpu.memory_space<vmem>>
      %dma_wait3A_305 = tpu.memref_squeeze %dma_wait3A_304 : memref<1x128x32xf32, #tpu.memory_space<vmem>> -> memref<128x32xf32, #tpu.memory_space<vmem>>
      %dma_wait3A_306 = arith.constant 768 : i32
      %dma_wait3A_307 = tpu.memref_slice %arg5[%dma_wait3A_300, %dma_wait3A_306] : memref<2x1024xi32, #tpu.memory_space<vmem>> -> memref<1x128xi32, #tpu.memory_space<vmem>>
      %dma_wait3A_308 = tpu.memref_squeeze %dma_wait3A_307 : memref<1x128xi32, #tpu.memory_space<vmem>> -> memref<128xi32, #tpu.memory_space<vmem>>
      %dma_wait3A_309 = arith.constant 0 : i32
      %dma_wait3A_310 = arith.constant 0 : i32
      %dma_wait3A_311 = tpu.memref_slice %arg3[%dma_wait3A_309, %dma_wait3A_310] : memref<1000000x32xf32, #tpu.memory_space<hbm>> -> memref<1000000x32xf32, #tpu.memory_space<hbm>>
      tpu.wait_indirect_dma semaphore(%arg8 : memref<!tpu.dma_semaphore, #tpu.memory_space<semaphore_mem>>) src(%dma_wait3A_311 : memref<1000000x32xf32, #tpu.memory_space<hbm>>) dst(%dma_wait3A_305 : memref<128x32xf32, #tpu.memory_space<vmem>>)
      %dma_wait3A_312 = arith.constant 1 : i32
      %dma_wait3A_313 = arith.constant 1 : i32
      %dma_wait3A_314 = arith.constant 896 : i32
      %dma_wait3A_315 = arith.constant 0 : i32
      %dma_wait3A_316 = tpu.memref_slice %arg6[%dma_wait3A_313, %dma_wait3A_314, %dma_wait3A_315] : memref<2x1024x32xf32, #tpu.memory_space<vmem>> -> memref<1x128x32xf32, #tpu.memory_space<vmem>>
      %dma_wait3A_317 = tpu.memref_squeeze %dma_wait3A_316 : memref<1x128x32xf32, #tpu.memory_space<vmem>> -> memref<128x32xf32, #tpu.memory_space<vmem>>
      %dma_wait3A_318 = arith.constant 896 : i32
      %dma_wait3A_319 = tpu.memref_slice %arg5[%dma_wait3A_312, %dma_wait3A_318] : memref<2x1024xi32, #tpu.memory_space<vmem>> -> memref<1x128xi32, #tpu.memory_space<vmem>>
      %dma_wait3A_320 = tpu.memref_squeeze %dma_wait3A_319 : memref<1x128xi32, #tpu.memory_space<vmem>> -> memref<128xi32, #tpu.memory_space<vmem>>
      %dma_wait3A_321 = arith.constant 0 : i32
      %dma_wait3A_322 = arith.constant 0 : i32
      %dma_wait3A_323 = tpu.memref_slice %arg3[%dma_wait3A_321, %dma_wait3A_322] : memref<1000000x32xf32, #tpu.memory_space<hbm>> -> memref<1000000x32xf32, #tpu.memory_space<hbm>>
      tpu.wait_indirect_dma semaphore(%arg8 : memref<!tpu.dma_semaphore, #tpu.memory_space<semaphore_mem>>) src(%dma_wait3A_323 : memref<1000000x32xf32, #tpu.memory_space<hbm>>) dst(%dma_wait3A_317 : memref<128x32xf32, #tpu.memory_space<vmem>>)
      %scan3A_324 = arith.constant 0 : i32
      %scan3A_325 = arith.constant 1024 : i32
      %scan3A_326 = arith.addi %scan3A_324, %scan3A_325 : i32
      %scan3A_327 = arith.constant 1 : i32
      scf.for %scan3A_333 = %scan3A_324 to %scan3A_326 step %scan3A_327  : i32 {
        %mul3A_334 = arith.constant 1 : i32
        %mul3A_335 = arith.muli %scan3A_333, %mul3A_334 : i32
        %add3A_336 = arith.constant 0 : i32
        %add3A_337 = arith.addi %add3A_336, %mul3A_335 : i32
        %get3A = arith.constant 1 : i32
        %get3A_338 = arith.index_cast %get3A : i32 to index
        %get3A_339 = arith.index_cast %add3A_337 : i32 to index
        %get3A_340 = arith.constant 0 : index
        %get3A_341 = tpu.vector_load %arg6[%get3A_338, %get3A_339, %get3A_340] {strides = array<i32>} : memref<2x1024x32xf32, #tpu.memory_space<vmem>>, vector<1x1x16xf32>,
        %get3A_342 = vector.shape_cast %get3A_341 : vector<1x1x16xf32> to vector<16xf32>
        %mul3A_343 = arith.constant 5.65685415 : f32
        %mul3A_344 = vector.broadcast %mul3A_343 : f32 to vector<16xf32>
        %mul3A_345 = arith.mulf %get3A_342, %mul3A_344 : vector<16xf32>
        %swap3A = arith.constant 1 : i32
        %swap3A_346 = arith.index_cast %swap3A : i32 to index
        %swap3A_347 = arith.index_cast %add3A_337 : i32 to index
        %swap3A_348 = arith.constant 0 : index
        %swap3A_349 = tpu.vector_load %arg6[%swap3A_346, %swap3A_347, %swap3A_348] {strides = array<i32>} : memref<2x1024x32xf32, #tpu.memory_space<vmem>>, vector<1x1x16xf32>,
        %swap3A_350 = vector.shape_cast %swap3A_349 : vector<1x1x16xf32> to vector<16xf32>
        %swap3A_351 = vector.shape_cast %mul3A_345 : vector<16xf32> to vector<1x1x16xf32>
        tpu.vector_store %arg6[%swap3A_346, %swap3A_347, %swap3A_348], %swap3A_351 {strides = array<i32>} : memref<2x1024x32xf32, #tpu.memory_space<vmem>>, vector<1x1x16xf32>,
        %get3A_352 = arith.constant 1 : i32
        %get3A_353 = arith.index_cast %get3A_352 : i32 to index
        %get3A_354 = arith.index_cast %add3A_337 : i32 to index
        %get3A_355 = arith.constant 16 : index
        %get3A_356 = tpu.vector_load %arg6[%get3A_353, %get3A_354, %get3A_355] {strides = array<i32>} : memref<2x1024x32xf32, #tpu.memory_space<vmem>>, vector<1x1x16xf32>,
        %get3A_357 = vector.shape_cast %get3A_356 : vector<1x1x16xf32> to vector<16xf32>
        %mul3A_358 = arith.constant 5.65685415 : f32
        %mul3A_359 = vector.broadcast %mul3A_358 : f32 to vector<16xf32>
        %mul3A_360 = arith.mulf %get3A_357, %mul3A_359 : vector<16xf32>
        %swap3A_361 = arith.constant 1 : i32
        %swap3A_362 = arith.index_cast %swap3A_361 : i32 to index
        %swap3A_363 = arith.index_cast %add3A_337 : i32 to index
        %swap3A_364 = arith.constant 16 : index
        %swap3A_365 = tpu.vector_load %arg6[%swap3A_362, %swap3A_363, %swap3A_364] {strides = array<i32>} : memref<2x1024x32xf32, #tpu.memory_space<vmem>>, vector<1x1x16xf32>,
        %swap3A_366 = vector.shape_cast %swap3A_365 : vector<1x1x16xf32> to vector<16xf32>
        %swap3A_367 = vector.shape_cast %mul3A_360 : vector<16xf32> to vector<1x1x16xf32>
        tpu.vector_store %arg6[%swap3A_362, %swap3A_363, %swap3A_364], %swap3A_367 {strides = array<i32>} : memref<2x1024x32xf32, #tpu.memory_space<vmem>>, vector<1x1x16xf32>,
      }
      %scan3A_328 = arith.constant 1024 : i32
      %mul3A_329 = arith.constant 1024 : i32
      %mul3A_330 = arith.muli %add3A_220, %mul3A_329 : i32
      %add3A_331 = arith.addi %mul3A_2, %mul3A_330 : i32
      %run_scoped3A_332 = arith.constant 1 : i32
      "tpu.region"() ({
        %run_scoped3A_333 = tpu.sem_alloc : memref<!tpu.dma_semaphore, #tpu.memory_space<semaphore_mem>>
        %dma_start3A_334 = arith.constant 0 : i32
        %dma_start3A_335 = arith.constant 0 : i32
        %dma_start3A_336 = tpu.memref_slice %arg6[%run_scoped3A_332, %dma_start3A_334, %dma_start3A_335] : memref<2x1024x32xf32, #tpu.memory_space<vmem>> -> memref<1x1024x32xf32, #tpu.memory_space<vmem>>
        %dma_start3A_337 = tpu.memref_squeeze %dma_start3A_336 : memref<1x1024x32xf32, #tpu.memory_space<vmem>> -> memref<1024x32xf32, #tpu.memory_space<vmem>>
        %dma_start3A_338 = arith.constant 0 : i32
        %dma_start3A_339 = tpu.memref_slice %arg4[%add3A_331, %dma_start3A_338] : memref<3276800x32xf32, #tpu.memory_space<hbm>> -> memref<1024x32xf32, #tpu.memory_space<hbm>>
        %dma_start3A_340 = arith.constant 0 : i32
        %dma_start3A_341 = tpu.memref_slice %arg4[%add3A_331, %dma_start3A_340] : memref<3276800x32xf32, #tpu.memory_space<hbm>> -> memref<1024x32xf32, #tpu.memory_space<hbm>>
        %dma_start3A_342 = arith.constant 0 : i32
        %dma_start3A_343 = arith.constant 0 : i32
        %dma_start3A_344 = tpu.memref_slice %arg6[%run_scoped3A_332, %dma_start3A_342, %dma_start3A_343] : memref<2x1024x32xf32, #tpu.memory_space<vmem>> -> memref<1x1024x32xf32, #tpu.memory_space<vmem>>
        %dma_start3A_345 = tpu.memref_squeeze %dma_start3A_344 : memref<1x1024x32xf32, #tpu.memory_space<vmem>> -> memref<1024x32xf32, #tpu.memory_space<vmem>>
        tpu.enqueue_dma source(%dma_start3A_345 : memref<1024x32xf32, #tpu.memory_space<vmem>>) target(%dma_start3A_341 : memref<1024x32xf32, #tpu.memory_space<hbm>>) target_semaphore(%run_scoped3A_333 : memref<!tpu.dma_semaphore, #tpu.memory_space<semaphore_mem>>)
        %dma_wait3A_346 = arith.constant 0 : i32
        %dma_wait3A_347 = arith.constant 0 : i32
        %dma_wait3A_348 = tpu.memref_slice %arg6[%run_scoped3A_332, %dma_wait3A_346, %dma_wait3A_347] : memref<2x1024x32xf32, #tpu.memory_space<vmem>> -> memref<1x1024x32xf32, #tpu.memory_space<vmem>>
        %dma_wait3A_349 = tpu.memref_squeeze %dma_wait3A_348 : memref<1x1024x32xf32, #tpu.memory_space<vmem>> -> memref<1024x32xf32, #tpu.memory_space<vmem>>
        %dma_wait3A_350 = arith.constant 0 : i32
        %dma_wait3A_351 = tpu.memref_slice %arg4[%add3A_331, %dma_wait3A_350] : memref<3276800x32xf32, #tpu.memory_space<hbm>> -> memref<1024x32xf32, #tpu.memory_space<hbm>>
        %dma_wait3A_352 = arith.constant 0 : i32
        %dma_wait3A_353 = tpu.memref_slice %arg4[%add3A_331, %dma_wait3A_352] : memref<3276800x32xf32, #tpu.memory_space<hbm>> -> memref<1024x32xf32, #tpu.memory_space<hbm>>
        %dma_wait3A_354 = arith.constant 0 : i32
        %dma_wait3A_355 = arith.constant 0 : i32
        %dma_wait3A_356 = tpu.memref_slice %arg6[%run_scoped3A_332, %dma_wait3A_354, %dma_wait3A_355] : memref<2x1024x32xf32, #tpu.memory_space<vmem>> -> memref<1x1024x32xf32, #tpu.memory_space<vmem>>
        %dma_wait3A_357 = tpu.memref_squeeze %dma_wait3A_356 : memref<1x1024x32xf32, #tpu.memory_space<vmem>> -> memref<1024x32xf32, #tpu.memory_space<vmem>>
        tpu.wait_dma2 semaphore(%run_scoped3A_333 : memref<!tpu.dma_semaphore, #tpu.memory_space<semaphore_mem>>) src(%dma_wait3A_357 : memref<1024x32xf32, #tpu.memory_space<vmem>>) dst(%dma_wait3A_353 : memref<1024x32xf32, #tpu.memory_space<hbm>>)
        tpu.yield
      }) : () -> ()
    }
    %scan3A_103 = arith.constant 50 : i32
    return
  }
}

</mosaic_0001>

<sc_bundles>
// kernel: sc_text_embedding.3.cloned.1.call-start
scs
__scs_entry_jumppad:
0x0: {  	(pc) =	sbr.rel $0x88, $3  }
0x1: {  	(tag) =	ssettag $0x0;
	lr =	simm.s32 $0x1  }
0x2: {  	[smem:$0x3F9F] =	sst lr;
	_ =	strace $0xD0000000  }
0x3: {  	_ = 	snop  }
0x4: {  	_ = 	snop  }
0x5: {  	_ = 	snop  }
0x6: {  	_ = 	snop  }
0x7: {  	_ = 	snop  }
__scs_overlays_trampoline_lowered:
0x8: {  	[smem:$0x3FAE] =	sst s0  }
0x9: {  	[smem:$0x3FAF] =	sst s1  }
0xa: {  	[smem:$0x3FB0] =	sst s2  }
0xb: {  	[smem:$0x3FB1] =	sst s3  }
0xc: {  	[smem:$0x3FB2] =	sst s4  }
0xd: {  	[smem:$0x3FB3] =	sst s5  }
0xe: {  	[smem:$0x3FB4] =	sst s6  }
0xf: {  	[smem:$0x3FB5] =	sst s7  }
0x10: {  	[smem:$0x3FB6] =	sst s8  }
0x11: {  	[smem:$0x3FB7] =	sst s9;
	s0 =	simm.s32 @!p0 $0x0  }
0x12: {  	s1 =	sld [smem:$0x3F9D];
	s0 =	simm.s32 @p0 $0x1  }
0x13: {  	[smem:$0x3FB8] =	sst s0;
	s0 =	simm.s32 @!p1 $0x0  }
0x14: {  	s2 =	sld [smem:$0x3F9C];
	s0 =	simm.s32 @p1 $0x1  }
0x15: {  	[smem:$0x3FB9] =	sst s0;
	s0 =	simm.s32 @!p2 $0x0  }
0x16: {  	s3 =	sld [smem:$0x3FDB];
	s0 =	simm.s32 @p2 $0x1  }
0x17: {  	s4 =	simm.s32 $0x1BF5;
	[smem:$0x3FBB] =	sst s0  }
0x18: {  	s0 =	sld [smem:$0x3F9E];
	_ =	swait.ge [sflag:s4], $0x0  }
0x19: {  	s7 =	sld [smem:$0x3F9F]  }
0x1a: {  	s8 =	sadd.s32 $0xFFFFE003, lr  }
0x1b: {  	s9 =	sadd.s32 $0xFFFFFEF7, lr;
	s5 =	simm.s32 $0xFFFFFFFF;
	p2 =	slt.u32 s8, $0xFFFFF086  }
0x1c: {  	p1 =	slt.u32 s9, $0xF7A;
	s5 =	simm.s32 @!p2 $0x0  }
0x1d: {  	s5 =	simm.s32 @p1 $0x1;
	p0 =	seq.s32 s7, s2  }
0x1e: {  	s7 =	smul.u32 @!p0 $0xF7A, s2;
	p2 =	seq.s32 @!p0 s5, $0x0  }
0x1f: {  	s9 =	smul.u32 $0xF7A, s1;
	s8 =	simm.s32 @!p0 $0x1BF5;
	p2 =	por !p2, p0  }
0x20: {  	[sflag:s8] =	ssyncset.s32 @!p0 $0xFFFFF086;
	s6 =	sadd.s32 @!p0 s3, s7;
	s7 =	simm.s32 @!p0 $0x108  }
0x21: {  	s3 =	sadd.s32 s3, s9;
	s6 =	sadd.s32 @!p0 $0x88, s6;
	s7 =	simm.s32 @p2 $0x1082  }
0x22: {  	[simem:s7], [sflag:s8] =	dma.local @!p0 [hbm:s6], $0xF7A  }
0x23: {  	s9 =	sor.u32 $0xD0000000, s2;
	s6 =	simm.s32 $0x108;
	_ =	swait.ge @!p0 [sflag:s8], $0x0  }
0x24: {  	s3 =	sadd.s32 $0x88, s3;
	s6 =	simm.s32 @!p1 $0x1082;
	[sflag:s4] =	ssyncset.s32 $0xFFFFF086  }
0x25: {  	[simem:s6], [sflag:s4] =	dma.local [hbm:s3], $0xF7A  }
0x26: {  	[smem:$0x3F9F] =	sst s1;
	(tag) =	ssettag s2;
	_ =	strace s9  }
0x27: {  	s1 =	sld [smem:$0x3FAF]  }
0x28: {  	s2 =	sld [smem:$0x3FB0]  }
0x29: {  	s4 =	sld [smem:$0x3FB2]  }
0x2a: {  	p0 =	seq.s32 s5, $0x0;
	s5 =	sld [smem:$0x3FB3]  }
0x2b: {  	s6 =	sld [smem:$0x3FB4]  }
0x2c: {  	s7 =	sld [smem:$0x3FB5]  }
0x2d: {  	s3 =	simm.s32 $0x108;
	s8 =	sld [smem:$0x3FB6]  }
0x2e: {  	s3 =	simm.s32 @!p0 $0x1082;
	s9 =	sld [smem:$0x3FB7]  }
0x2f: {  	lr =	sadd.s32 s0, s3;
	s0 =	sld [smem:$0x3FAE]  }
0x30: {  	s3 =	sld [smem:$0x3FB1]  }
0x31: {  	[smem:$0x3FBA] =	sst s10  }
0x32: {  	s10 =	sld [smem:$0x3FB8];
	_ =	sdelay $0x3  }
0x33: {  	p0 =	seq.s32 s10, $0x1;
	s10 =	sld [smem:$0x3FBA];
	_ =	sdelay $0x3  }
0x34: {  	[smem:$0x3FBA] =	sst s10  }
0x35: {  	s10 =	sld [smem:$0x3FB9];
	_ =	sdelay $0x3  }
0x36: {  	p1 =	seq.s32 s10, $0x1;
	s10 =	sld [smem:$0x3FBA];
	_ =	sdelay $0x3  }
0x37: {  	[smem:$0x3FBA] =	sst s10  }
0x38: {  	s10 =	sld [smem:$0x3FBB]  }
0x39: {  	_ = 	snop;
	(pc) =	sbr.ind lr, $3  }
0x3a: {  	_ = 	snop  }
0x3b: {  	_ = 	snop  }
0x3c: {  	p2 =	seq.s32 s10, $0x1;
	s10 =	sld [smem:$0x3FBA]  }
0x3d: {  	_ =	shalt  }
0x3e: {  	_ =	shalt  }
0x3f: {  	_ =	shalt  }
0x40: {  	_ =	shalt  }
0x41: {  	_ =	shalt  }
0x42: {  	_ =	shalt  }
0x43: {  	_ =	shalt  }
0x44: {  	_ =	shalt  }
0x45: {  	_ =	shalt  }
0x46: {  	_ =	shalt  }
0x47: {  	_ =	shalt  }
0x48: {  	_ =	shalt  }
0x49: {  	_ =	shalt  }
0x4a: {  	_ =	shalt  }
0x4b: {  	_ =	shalt  }
0x4c: {  	_ =	shalt  }
0x4d: {  	_ =	shalt  }
0x4e: {  	_ =	shalt  }
0x4f: {  	_ =	shalt  }
0x50: {  	_ =	shalt  }
0x51: {  	_ =	shalt  }
0x52: {  	_ =	shalt  }
0x53: {  	_ =	shalt  }
0x54: {  	_ =	shalt  }
0x55: {  	_ =	shalt  }
0x56: {  	_ =	shalt  }
0x57: {  	_ =	shalt  }
0x58: {  	_ =	shalt  }
0x59: {  	_ =	shalt  }
0x5a: {  	_ =	shalt  }
0x5b: {  	_ =	shalt  }
0x5c: {  	_ =	shalt  }
0x5d: {  	_ =	shalt  }
0x5e: {  	_ =	shalt  }
0x5f: {  	_ =	shalt  }
0x60: {  	_ =	shalt  }
0x61: {  	_ =	shalt  }
0x62: {  	_ =	shalt  }
0x63: {  	_ =	shalt  }
0x64: {  	_ =	shalt  }
0x65: {  	_ =	shalt  }
0x66: {  	_ =	shalt  }
0x67: {  	_ =	shalt  }
0x68: {  	_ =	shalt  }
0x69: {  	_ =	shalt  }
0x6a: {  	_ =	shalt  }
0x6b: {  	_ =	shalt  }
0x6c: {  	_ =	shalt  }
0x6d: {  	_ =	shalt  }
0x6e: {  	_ =	shalt  }
0x6f: {  	_ =	shalt  }
0x70: {  	_ =	shalt  }
0x71: {  	_ =	shalt  }
0x72: {  	_ =	shalt  }
0x73: {  	_ =	shalt  }
0x74: {  	_ =	shalt  }
0x75: {  	_ =	shalt  }
0x76: {  	_ =	shalt  }
0x77: {  	_ =	shalt  }
0x78: {  	_ =	shalt  }
0x79: {  	_ =	shalt  }
0x7a: {  	_ =	shalt  }
0x7b: {  	_ =	shalt  }
0x7c: {  	_ =	shalt  }
0x7d: {  	_ =	shalt  }
0x7e: {  	_ =	shalt  }
0x7f: {  	_ =	shalt  }
0x80: {  	_ =	shalt  }
0x81: {  	_ =	shalt  }
0x82: {  	_ =	shalt  }
0x83: {  	_ =	shalt  }
0x84: {  	_ =	shalt  }
0x85: {  	_ =	shalt  }
0x86: {  	_ =	shalt  }
0x87: {  	_ =	shalt  }
.Lfunc_end0:
.L_simem_size_0:
called_computation.1_lowered:
.L_overlay_start_0:
0x88: {  	s2 =	sld [smem:$0x3FD9]  }
0x89: {  	s3 =	sld [smem:$0x3FFE];
	_ =	sdelay $0x1  }
0x8a: {  	s1 =	srdreg.scid  }
0x8b: {  	s0 =	sand.u32 $0x1, s1  }
0x8c: {  	s17 =	sshll.u32 s0, $0xA;
	s2 =	sadd.s32 s3, s2  }
0x8d: {  	s2 =	sadd.s32 s2, s17  }
0x8e: {  	[smem:$0x3FC6] =	sst s2  }
0x8f: {  	_ = 	snop  }
0x90: {  	s2 =	sld [smem:$0x3FC9]  }
0x91: {  	s18 =	sld [smem:$0x3FD0];
	(tm) =	ssettm $0x1  }
0x92: {  	s4 =	sld [smem:$0x3FFB];
	_ =	sdelay $0x3  }
0x93: {  	_ =	strace s4  }
0x94: {  	s4 =	sld [smem:$0x3FFC];
	_ =	sdelay $0x3  }
0x95: {  	_ =	strace s4  }
0x96: {  	s4 =	sld [smem:$0x3FFD];
	_ =	sdelay $0x3  }
0x97: {  	_ =	strace s4  }
0x98: {  	_ =	strace $0x8FFFFFFF  }
0x99: {  	s19 =	sld [smem:$0x3FDB];
	_ =	sdelay $0x1  }
0x9a: {  	s5 =	simm.s32 $_scs_section_size  }
0x9b: {  	s6 =	simm.s32 $_size__tile_overlayer_lowered;
	s7 =	simm.s32 $_tile_overlayer_lowered  }
0x9c: {  	s22 =	simm.s32 $0x1BFF;
	s21 =	sshll.u32 s7, $0x1;
	s4 =	sadd.s32 s5, s19  }
0x9d: {  	s8 =	simm.s32 $0x0;
	s20 =	sshll.u32 s6, $0x1;
	s6 =	sadd.s32 s21, s4  }
0x9e: {  	[timem:s8], [sflag:s22] =	dma.local [hbm:s6], s20  }
0x9f: {  	_ =	swait.ge [sflag:s22], s20  }
0xa0: {  	s5 =	ssub.s32 $0x0, s20;
	[sflag:s22] =	ssyncset.done $0x0  }
0xa1: {  	[sflag:s22] =	ssyncadd.s32 s5;
	_ =	sdelay $0x1  }
0xa2: {  	s23 =	simm.s32 $0x1B8B  }
0xa3: {  	_ =	swait.ge [sflag:s23], $0x1  }
0xa4: {  	[sflag:s23] =	ssyncset.done $0x0  }
0xa5: {  	s25 =	simm.s32 $0x1B8E;
	s24 =	sld [smem:$0x3FFE];
	[sflag:s23] =	ssyncadd.s32 $0xFFFFFFFF  }
0xa6: {  	s26 =	simm.s32 $execute0_lowered;
	[smem:$0x3FD2] =	sst s25  }
0xa7: {  	s6 =	sshll.u32 s26, $0x1;
	_ =	strace $0x80000046;
	[dreg:$0x1] =	wrdreg $0xFFFFFFFF  }
0xa8: {  	s28 =	simm.s32 $_size_execute0_lowered;
	s4 =	sadd.s32 s4, s6;
	[dreg:$0x0] =	wrdreg $0x0  }
0xa9: {  	s6 =	sshll.u32 s28, $0x1;
	[dreg:$0x2] =	wrdreg s4  }
0xaa: {  	[dreg:$0x3] =	wrdreg s6  }
0xab: {  	[dreg:$0x4] =	wrdreg $0xC0  }
0xac: {  	_ =	task [dreg:s8], $0x5FFFF  }
0xad: {  	[dreg:$0x1] =	wrdreg $0xFFFFFFFF  }
0xae: {  	[dreg:$0x0] =	wrdreg $0x60  }
0xaf: {  	[dreg:$0x2] =	wrdreg s2  }
0xb0: {  	[dreg:$0x3] =	wrdreg s24  }
0xb1: {  	[dreg:$0x4] =	wrdreg s18  }
0xb2: {  	[dreg:$0x5] =	wrdreg $0x9  }
0xb3: {  	_ =	task.clear_ibuf [dreg:s8], $0x6FFFF;
	_ =	strace $0x90000046  }
0xb4: {  	s29 =	simm.s32 $0x9;
	_ =	strace $0x80000048  }
0xb5: {  	_ =	swait.ge [sflag:s29], $0x1  }
0xb6: {  	[sflag:s29] =	ssyncadd.s32 $0xFFFFFFFF  }
0xb7: {  	_ =	strace $0x90000048  }
0xb8: {  	_ =	sfence  }
0xb9: {  	s30 =	sld [smem:$0x0];
	_ =	sdelay $0x2  }
0xba: {  	s31 =	sshll.u32 s1, $0xD;
	s1 =	sshrl.u32 s1, $0x2  }
0xbb: {  	s3 =	sand.u32 $0x4000, s31;
	s1 =	sadd.s32 s1, s30  }
0xbc: {  	s0 =	sor.u32 s3, s0;
	s1 =	sshll.u32 s1, $0x11  }
0xbd: {  	s0 =	sor.u32 s1, s0  }
0xbe: {  	s0 =	sadd.s32 $0x8F2B, s0  }
0xbf: {  	[sflag:s0] =	ssyncadd.remote.s32 $0x1  }
0xc0: {  	_ =	sfence.sel $0xFFFF  }
0xc1: {  	[dreg:$0x0] =	wrdreg $0xFFFFFFFF;
	(pc) =	sbr.abs _section_cstart, $3  }
0xc2: {  	[dreg:$0x1] =	wrdreg $0xFFFFFFFF  }
0xc3: {  	_ =	task.clear_ibuf [dreg:s8], $0x2FFFF;
	_ =	strace $0x9FFFFFFF  }
0xc4: {  	(tm) =	ssettm $0x7FFFFFFF  }
0xc5: {  	_ =	shalt  }
tec
execute0_lowered:
.L_overlay_start_1:
0x0: {  	(tag) =	ssettag $0x1  }
0x1: {  	s1 =	rddreg [dreg:$0x0]  }
0x2: {  	s0 =	rddreg [dreg:$0x1]  }
0x3: {  	s2 =	srdreg.scid;
	s4 =	stileid.u32  }
0x4: {  	s3 =	rddreg [dreg:$0x2];
	s11 =	simm.s32 $0x3;
	s12 =	simm.s32 $0x80  }
0x5: {  	s28 =	simm.s32 $0x400;
	s29 =	simm.s32 $0x8800;
	s31 =	simm.s32 $0x9800  }
0x6: {  	s14 =	simm.s32 $0x580;
	s15 =	simm.s32 $0xB800;
	s16 =	simm.s32 $0x600  }
0x7: {  	s17 =	simm.s32 $0xC800;
	s18 =	simm.s32 $0x680;
	s19 =	simm.s32 $0xD800  }
0x8: {  	s20 =	simm.s32 $0x700;
	s21 =	simm.s32 $0xE800;
	s22 =	simm.s32 $0x780  }
0x9: {  	s23 =	simm.s32 $0xF800;
	s24 =	simm.s32 $0x1;
	s25 =	simm.s32 $0x2  }
0xa: {  	s10 =	simm.s32 $0x0;
	s2 =	sand.u32 $0x1, s2;
	s5 =	sshll.u32 s4, $0x1  }
0xb: {  	s4 =	simm.s32 $0x0;
	s7 =	sor.u32 s2, s5;
	s2 =	ssub.s32 $0x2, s2  }
0xc: {  	[smem:$0x7FF] =	sst s4;
	s5 =	smul.u32 $0x19000, s7;
	s8 =	sshrl.u32 s2, $0x1  }
0xd: {  	s6 =	sadd.s32 $0xF42C00, s0;
	_ =	strace $0x80000047;
	s26 =	ssub.s32 s2, s8  }
0xe: {  	s8 =	smul.u32 $0x320000, s7;
	s30 =	sshrl.u32 s5, $0x3;
	s0 =	smax.u32 s26, $0x1  }
0xf: {  	s9 =	sor.u32 $0x800, s5;
	s2 =	sadd.s32 s1, s30;
	[dreg:$0x5] =	wrdreg s0  }
0x10: {  	s0 =	simm.s32 $0xA800;
	[dreg:$0x4] =	wrdreg s2;
	s2 =	simm.s32 $0x500  }
.LBB2_1:
0x11: {  	[dreg:$0x6] =	wrdreg s10  }
0x12: {  	s7 =	rddreg [dreg:$0x4]  }
0x13: {  	[tilespmem:s4], [sflag:$0x3] =	stream.linear.gather [hbm4b:s7+s4], $0x400, $0x38;
	[tilespmem:$0x10800] =	vst v63  }
0x14: {  	_ =	swait.ge [sflag:s11], $0x400  }
0x15: {  	[sflag:s11] =	ssyncset.done $0x0  }
0x16: {  	s26 =	simm.s32 $0x800;
	[sflag:s11] =	ssyncadd.s32 $0xFFFFFC00  }
0x17: {  	[tilespmem:s26], [sflag:$0x1] =	stream.indirect.gather [hbm4b:s6+s12], $0x20, s4, s12, $0xb8;
	[tilespmem:$0x10800] =	vst v63  }
0x18: {  	s30 =	simm.s32 $0x1800  }
0x19: {  	[tilespmem:s30], [sflag:$0x1] =	stream.indirect.gather [hbm4b:s6+s12], $0x20, s12, s12, $0xb8;
	[tilespmem:$0x10800] =	vst v63  }
0x1a: {  	s10 =	simm.s32 $0x100;
	s13 =	simm.s32 $0x2800  }
0x1b: {  	[tilespmem:s13], [sflag:$0x1] =	stream.indirect.gather [hbm4b:s6+s12], $0x20, s10, s12, $0xb8;
	[tilespmem:$0x10800] =	vst v63  }
0x1c: {  	s26 =	simm.s32 $0x180;
	s30 =	simm.s32 $0x3800  }
0x1d: {  	[tilespmem:s30], [sflag:$0x1] =	stream.indirect.gather [hbm4b:s6+s12], $0x20, s26, s12, $0xb8;
	[tilespmem:$0x10800] =	vst v63  }
0x1e: {  	s10 =	simm.s32 $0x200;
	s13 =	simm.s32 $0x4800  }
0x1f: {  	[tilespmem:s13], [sflag:$0x1] =	stream.indirect.gather [hbm4b:s6+s12], $0x20, s10, s12, $0xb8;
	[tilespmem:$0x10800] =	vst v63  }
0x20: {  	s26 =	simm.s32 $0x280;
	s30 =	simm.s32 $0x5800  }
0x21: {  	[tilespmem:s30], [sflag:$0x1] =	stream.indirect.gather [hbm4b:s6+s12], $0x20, s26, s12, $0xb8;
	[tilespmem:$0x10800] =	vst v63  }
0x22: {  	s10 =	simm.s32 $0x300;
	s13 =	simm.s32 $0x6800  }
0x23: {  	[tilespmem:s13], [sflag:$0x1] =	stream.indirect.gather [hbm4b:s6+s12], $0x20, s10, s12, $0xb8;
	[tilespmem:$0x10800] =	vst v63  }
0x24: {  	s7 =	simm.s32 $0x0;
	s26 =	simm.s32 $0x380;
	s30 =	simm.s32 $0x7800  }
0x25: {  	[tilespmem:s30], [sflag:$0x1] =	stream.indirect.gather [hbm4b:s6+s12], $0x20, s26, s12, $0xb8;
	[tilespmem:$0x10800] =	vst v63  }
.LBB2_2:
0x26: {  	s10 =	sshllo.u32 s7, $0x1  }
0x27: {  	s13 =	sshll.u32 s10, $0xA  }
0x28: {  	s13 =	sadd.s32 s5, s13  }
0x29: {  	s13 =	sshrl.u32 s13, $0x3  }
0x2a: {  	s26 =	simm.s32 $0x0;
	s13 =	sadd.s32 s1, s13  }
0x2b: {  	[tilespmem:s28], [sflag:$0x3] =	stream.linear.gather [hbm4b:s13+s26], $0x400, $0x38;
	[tilespmem:$0x10800] =	vst v63  }
0x2c: {  	_ =	swait.ge [sflag:s11], $0x400  }
0x2d: {  	[sflag:s11] =	ssyncset.done $0x0  }
0x2e: {  	[sflag:s11] =	ssyncadd.s32 $0xFFFFFC00  }
0x2f: {  	[tilespmem:s29], [sflag:$0x2] =	stream.indirect.gather [hbm4b:s6+s12], $0x20, s28, s12, $0xb8;
	[tilespmem:$0x10800] =	vst v63  }
0x30: {  	s30 =	simm.s32 $0x480  }
0x31: {  	[tilespmem:s31], [sflag:$0x2] =	stream.indirect.gather [hbm4b:s6+s12], $0x20, s30, s12, $0xb8;
	[tilespmem:$0x10800] =	vst v63  }
0x32: {  	_ = 	snop  }
0x33: {  	[tilespmem:s0], [sflag:$0x2] =	stream.indirect.gather [hbm4b:s6+s12], $0x20, s2, s12, $0xb8;
	[tilespmem:$0x10800] =	vst v63  }
0x34: {  	_ = 	snop  }
0x35: {  	[tilespmem:s15], [sflag:$0x2] =	stream.indirect.gather [hbm4b:s6+s12], $0x20, s14, s12, $0xb8;
	[tilespmem:$0x10800] =	vst v63  }
0x36: {  	_ = 	snop  }
0x37: {  	[tilespmem:s17], [sflag:$0x2] =	stream.indirect.gather [hbm4b:s6+s12], $0x20, s16, s12, $0xb8;
	[tilespmem:$0x10800] =	vst v63  }
0x38: {  	_ = 	snop  }
0x39: {  	[tilespmem:s19], [sflag:$0x2] =	stream.indirect.gather [hbm4b:s6+s12], $0x20, s18, s12, $0xb8;
	[tilespmem:$0x10800] =	vst v63  }
0x3a: {  	_ = 	snop  }
0x3b: {  	[tilespmem:s21], [sflag:$0x2] =	stream.indirect.gather [hbm4b:s6+s12], $0x20, s20, s12, $0xb8;
	[tilespmem:$0x10800] =	vst v63  }
0x3c: {  	_ = 	snop  }
0x3d: {  	[tilespmem:s23], [sflag:$0x2] =	stream.indirect.gather [hbm4b:s6+s12], $0x20, s22, s12, $0xb8;
	[tilespmem:$0x10800] =	vst v63  }
0x3e: {  	_ =	swait.ge [sflag:s24], $0x1000  }
0x3f: {  	[sflag:s24] =	ssyncset.done $0x0  }
0x40: {  	[sflag:s24] =	ssyncadd.s32 $0xFFFFF000  }
0x41: {  	_ =	swait.ge [sflag:s24], $0x1000  }
0x42: {  	[sflag:s24] =	ssyncset.done $0x0  }
0x43: {  	[sflag:s24] =	ssyncadd.s32 $0xFFFFF000  }
0x44: {  	_ =	swait.ge [sflag:s24], $0x1000  }
0x45: {  	[sflag:s24] =	ssyncset.done $0x0  }
0x46: {  	[sflag:s24] =	ssyncadd.s32 $0xFFFFF000  }
0x47: {  	_ =	swait.ge [sflag:s24], $0x1000  }
0x48: {  	[sflag:s24] =	ssyncset.done $0x0  }
0x49: {  	[sflag:s24] =	ssyncadd.s32 $0xFFFFF000  }
0x4a: {  	_ =	swait.ge [sflag:s24], $0x1000  }
0x4b: {  	[sflag:s24] =	ssyncset.done $0x0  }
0x4c: {  	[sflag:s24] =	ssyncadd.s32 $0xFFFFF000  }
0x4d: {  	_ =	swait.ge [sflag:s24], $0x1000  }
0x4e: {  	[sflag:s24] =	ssyncset.done $0x0  }
0x4f: {  	[sflag:s24] =	ssyncadd.s32 $0xFFFFF000  }
0x50: {  	_ =	swait.ge [sflag:s24], $0x1000  }
0x51: {  	[sflag:s24] =	ssyncset.done $0x0  }
0x52: {  	[sflag:s24] =	ssyncadd.s32 $0xFFFFF000  }
0x53: {  	_ =	swait.ge [sflag:s24], $0x1000  }
0x54: {  	[sflag:s24] =	ssyncset.done $0x0  }
0x55: {  	s26 =	simm.s32 $0x0;
	[sflag:s24] =	ssyncadd.s32 $0xFFFFF000  }
0x56: {  	s13 =	simm.s32 $0x80;
	v0 =	vld [tilespmem:s26+$0x800]  }
.LBB2_3:
0x57: {  	p0 =	sne.s32 s13, $0x1FF80;
	v1 =	vld [tilespmem:s26+$0x810];
	_ =	sdelay $0x2  }
.Ltmp0:
0x58: {  	(pc) =	sbr.rel @p0 .LBB2_3-.Ltmp0, $4  }
0x59: {  	v0 =	vmul.f32 $5.656854150e+00, v0  }
0x5a: {  	v1 =	vmul.f32 $5.656854150e+00, v1  }
0x5b: {  	s30 =	sshra.s32 s13, $0x2;
	[tilespmem:s26+$0x800] =	vst v0  }
0x5c: {  	s13 =	sadd.s32 $0x80, s13;
	v0 =	vld [tilespmem:s30+$0x800];
	[tilespmem:s26+$0x810] =	vst v1;
	s26 =	smov.u32 s30  }
0x5d: {  	v1 =	vld [tilespmem:s26+$0x810];
	_ =	sdelay $0x3  }
0x5e: {  	s13 =	sshll.u32 s7, $0x10;
	v0 =	vmul.f32 $5.656854150e+00, v0  }
0x5f: {  	s13 =	sadd.s32 s8, s13;
	v1 =	vmul.f32 $5.656854150e+00, v1  }
0x60: {  	s13 =	sshrl.u32 s13, $0x3;
	[tilespmem:s26+$0x800] =	vst v0  }
0x61: {  	s30 =	simm.s32 $0x800;
	p0 =	seq.s32 s7, $0x31;
	s13 =	sadd.s32 s3, s13;
	[tilespmem:s26+$0x810] =	vst v1  }
0x62: {  	[hbm4b:s13+s4] =	stream.linear.scatter [tilespmem:s30], [sflag:$0x3], $0x8000, $0x38;
	[tilespmem:$0x10800] =	vst v63  }
0x63: {  	s13 =	sshll.u32 @!p0 s7, $0xB  }
0x64: {  	_ =	swait.ge [sflag:s11], $0x8000;
	s13 =	sadd.s32 @!p0 s13, s9  }
0x65: {  	[sflag:s11] =	ssyncset.done $0x0;
	s13 =	sshrl.u32 @!p0 s13, $0x3  }
0x66: {  	s26 =	simm.s32 @!p0 $0x0;
	[sflag:s11] =	ssyncadd.s32 $0xFFFF8000;
	s13 =	sadd.s32 @!p0 s1, s13  }
0x67: {  	[tilespmem:s26], [sflag:$0x3] =	stream.linear.gather @!p0 [hbm4b:s13+s26], $0x400, $0x38;
	[tilespmem:$0x10800] =	vst v63  }
0x68: {  	s13 =	simm.s32 @!p0 $0x3  }
0x69: {  	_ =	swait.ge @!p0 [sflag:s13], $0x400  }
0x6a: {  	[sflag:s13] =	ssyncset.done @!p0 $0x0  }
0x6b: {  	s30 =	simm.s32 @!p0 $0x800;
	[sflag:s13] =	ssyncadd.s32 @!p0 $0xFFFFFC00;
	s13 =	simm.s32 @!p0 $0x80  }
0x6c: {  	[tilespmem:s30], [sflag:$0x1] =	stream.indirect.gather @!p0 [hbm4b:s6+s13], $0x20, s26, s13, $0xb8;
	[tilespmem:$0x10800] =	vst v63  }
0x6d: {  	s26 =	simm.s32 @!p0 $0x1800  }
0x6e: {  	[tilespmem:s26], [sflag:$0x1] =	stream.indirect.gather @!p0 [hbm4b:s6+s13], $0x20, s13, s13, $0xb8;
	[tilespmem:$0x10800] =	vst v63  }
0x6f: {  	s30 =	simm.s32 @!p0 $0x2800;
	s26 =	simm.s32 @!p0 $0x100  }
0x70: {  	[tilespmem:s30], [sflag:$0x1] =	stream.indirect.gather @!p0 [hbm4b:s6+s13], $0x20, s26, s13, $0xb8;
	[tilespmem:$0x10800] =	vst v63  }
0x71: {  	s26 =	simm.s32 @!p0 $0x180;
	s30 =	simm.s32 @!p0 $0x3800  }
0x72: {  	[tilespmem:s30], [sflag:$0x1] =	stream.indirect.gather @!p0 [hbm4b:s6+s13], $0x20, s26, s13, $0xb8;
	[tilespmem:$0x10800] =	vst v63  }
0x73: {  	s26 =	simm.s32 @!p0 $0x200;
	s30 =	simm.s32 @!p0 $0x4800  }
0x74: {  	[tilespmem:s30], [sflag:$0x1] =	stream.indirect.gather @!p0 [hbm4b:s6+s13], $0x20, s26, s13, $0xb8;
	[tilespmem:$0x10800] =	vst v63  }
0x75: {  	s26 =	simm.s32 @!p0 $0x280;
	s30 =	simm.s32 @!p0 $0x5800  }
0x76: {  	[tilespmem:s30], [sflag:$0x1] =	stream.indirect.gather @!p0 [hbm4b:s6+s13], $0x20, s26, s13, $0xb8;
	[tilespmem:$0x10800] =	vst v63  }
0x77: {  	s26 =	simm.s32 @!p0 $0x300;
	s30 =	simm.s32 @!p0 $0x6800  }
0x78: {  	[tilespmem:s30], [sflag:$0x1] =	stream.indirect.gather @!p0 [hbm4b:s6+s13], $0x20, s26, s13, $0xb8;
	[tilespmem:$0x10800] =	vst v63  }
0x79: {  	s26 =	simm.s32 @!p0 $0x380;
	s30 =	simm.s32 @!p0 $0x7800  }
0x7a: {  	[tilespmem:s30], [sflag:$0x1] =	stream.indirect.gather @!p0 [hbm4b:s6+s13], $0x20, s26, s13, $0xb8;
	[tilespmem:$0x10800] =	vst v63  }
0x7b: {  	_ =	swait.ge [sflag:s25], $0x1000  }
0x7c: {  	[sflag:s25] =	ssyncset.done $0x0  }
0x7d: {  	[sflag:s25] =	ssyncadd.s32 $0xFFFFF000  }
0x7e: {  	_ =	swait.ge [sflag:s25], $0x1000  }
0x7f: {  	[sflag:s25] =	ssyncset.done $0x0  }
0x80: {  	[sflag:s25] =	ssyncadd.s32 $0xFFFFF000  }
0x81: {  	_ =	swait.ge [sflag:s25], $0x1000  }
0x82: {  	[sflag:s25] =	ssyncset.done $0x0  }
0x83: {  	[sflag:s25] =	ssyncadd.s32 $0xFFFFF000  }
0x84: {  	_ =	swait.ge [sflag:s25], $0x1000  }
0x85: {  	[sflag:s25] =	ssyncset.done $0x0  }
0x86: {  	[sflag:s25] =	ssyncadd.s32 $0xFFFFF000  }
0x87: {  	_ =	swait.ge [sflag:s25], $0x1000  }
0x88: {  	[sflag:s25] =	ssyncset.done $0x0  }
0x89: {  	[sflag:s25] =	ssyncadd.s32 $0xFFFFF000  }
0x8a: {  	_ =	swait.ge [sflag:s25], $0x1000  }
0x8b: {  	[sflag:s25] =	ssyncset.done $0x0  }
0x8c: {  	[sflag:s25] =	ssyncadd.s32 $0xFFFFF000  }
0x8d: {  	_ =	swait.ge [sflag:s25], $0x1000  }
0x8e: {  	[sflag:s25] =	ssyncset.done $0x0  }
0x8f: {  	[sflag:s25] =	ssyncadd.s32 $0xFFFFF000  }
0x90: {  	_ =	swait.ge [sflag:s25], $0x1000  }
0x91: {  	[sflag:s25] =	ssyncset.done $0x0  }
0x92: {  	s26 =	simm.s32 $0xFFFF8000;
	[sflag:s25] =	ssyncadd.s32 $0xFFFFF000  }
0x93: {  	s13 =	simm.s32 $0xFFFE0080;
	v0 =	vld [tilespmem:s26+$0x10800]  }
.LBB2_5:
0x94: {  	p0 =	sne.s32 s13, $0xFFFFFF80;
	v1 =	vld [tilespmem:s26+$0x10810];
	_ =	sdelay $0x2  }
.Ltmp1:
0x95: {  	(pc) =	sbr.rel @p0 .LBB2_5-.Ltmp1, $4  }
0x96: {  	v0 =	vmul.f32 $5.656854150e+00, v0  }
0x97: {  	v1 =	vmul.f32 $5.656854150e+00, v1  }
0x98: {  	s30 =	sshra.s32 s13, $0x2;
	[tilespmem:s26+$0x10800] =	vst v0  }
0x99: {  	s13 =	sadd.s32 $0x80, s13;
	v0 =	vld [tilespmem:s30+$0x10800];
	[tilespmem:s26+$0x10810] =	vst v1;
	s26 =	smov.u32 s30  }
0x9a: {  	v1 =	vld [tilespmem:s26+$0x10810];
	_ =	sdelay $0x3  }
0x9b: {  	s10 =	sshll.u32 s10, $0xF;
	v0 =	vmul.f32 $5.656854150e+00, v0  }
0x9c: {  	s7 =	sadd.s32 $0x1, s7;
	s10 =	sadd.s32 s8, s10;
	v1 =	vmul.f32 $5.656854150e+00, v1  }
0x9d: {  	p0 =	sne.s32 s7, $0x32;
	s10 =	sshrl.u32 s10, $0x3;
	[tilespmem:s26+$0x10800] =	vst v0  }
.Ltmp2:
0x9e: {  	s10 =	sadd.s32 s3, s10;
	[tilespmem:s26+$0x10810] =	vst v1;
	(pc) =	sbr.rel @p0 .LBB2_2-.Ltmp2, $4  }
0x9f: {  	[hbm4b:s10+s4] =	stream.linear.scatter [tilespmem:s29], [sflag:$0x3], $0x8000, $0x38;
	[tilespmem:$0x10800] =	vst v63  }
0xa0: {  	_ =	swait.ge [sflag:s11], $0x8000  }
0xa1: {  	[sflag:s11] =	ssyncset.done $0x0  }
0xa2: {  	[sflag:s11] =	ssyncadd.s32 $0xFFFF8000  }
0xa3: {  	s10 =	rddreg [dreg:$0x6]  }
0xa4: {  	s7 =	rddreg [dreg:$0x5];
	s10 =	sadd.s32 $0x1, s10  }
0xa5: {  	p0 =	sne.s32 s10, s7  }
.Ltmp3:
0xa6: {  	_ = 	snop;
	(pc) =	sbr.rel @p0 .LBB2_1-.Ltmp3, $1  }
0xa7: {  	_ =	sdelay $0x3  }
0xa8: {  	_ =	sfence.sel $0x180000  }
0xa9: {  	[bflag:$0x0] =	sbarrier.arrive $0xFFFF  }
0xaa: {  	_ =	strace $0x90000047  }
0xab: {  	s0 =	stileid.u32;
	[bflag:$0x2] =	sbarrier.arrive $0xFFFF  }
0xac: {  	p0 =	sne.s32 s0, $0x0;
	s0 =	rddreg [dreg:$0x3]  }
0xad: {  	s0 =	sadd.s32 @!p0 $0x100000, s0  }
0xae: {  	[sflag:s0] =	ssyncadd.tile.s32 @!p0 $0x1;
	_ =	shalt  }
.Lfunc_end2:
_tile_overlayer_lowered:
.L_overlay_start_2:
0xaf: {  	(tag) =	ssettag $0x2  }
0xb0: {  	s0 =	rddreg [dreg:$0x0];
	s2 =	stileid.u32  }
0xb1: {  	s1 =	rddreg [dreg:$0x1];
	p0 =	sne.s32 s2, $0x0  }
0xb2: {  	s3 =	rddreg [dreg:$0x2];
	[bflag:$0x3] =	sbarrier.arrive $0xFFFF;
	s2 =	simm.s32 @!p0 $0x1C03  }
0xb3: {  	[timem:s3], [sflag:s2] =	dma.local @!p0 [hbm:s0], s1  }
0xb4: {  	s0 =	simm.s32 @!p0 $0x3  }
0xb5: {  	_ =	swait.ge @!p0 [sflag:s0], s1  }
0xb6: {  	s1 =	ssub.s32 @!p0 $0x0, s1;
	[sflag:s0] =	ssyncset.done @!p0 $0x0  }
0xb7: {  	[sflag:s0] =	ssyncadd.s32 @!p0 s1  }
0xb8: {  	[bflag:$0x3] =	sbarrier.arrive $0xFFFF  }
0xb9: {  	_ =	shalt  }

// kernel: sparse-core-data-format-call.cloned.1.call-start
scs
called_computation_lowered:
.L_overlay_start_0:
0x0: {  	s2 =	sld [smem:$0x3FD9]  }
0x1: {  	s3 =	sld [smem:$0x3FFE];
	_ =	sdelay $0x1  }
0x2: {  	s1 =	srdreg.scid  }
0x3: {  	s0 =	sand.u32 $0x1, s1  }
0x4: {  	s18 =	sshll.u32 s0, $0xA;
	s2 =	sadd.s32 s3, s2  }
0x5: {  	s2 =	sadd.s32 s2, s18  }
0x6: {  	[smem:$0x3FC6] =	sst s2  }
0x7: {  	_ = 	snop  }
0x8: {  	s2 =	sld [smem:$0x3FD0];
	(tm) =	ssettm $0x1  }
0x9: {  	s19 =	sld [smem:$0x3FFB];
	_ =	sdelay $0x3  }
0xa: {  	_ =	strace s19  }
0xb: {  	s3 =	sld [smem:$0x3FFC];
	_ =	sdelay $0x3  }
0xc: {  	_ =	strace s3  }
0xd: {  	s3 =	sld [smem:$0x3FFD];
	_ =	sdelay $0x3  }
0xe: {  	_ =	strace s3  }
0xf: {  	_ =	strace $0x8FFFFFFF  }
0x10: {  	s20 =	sld [smem:$0x3FDB];
	_ =	sdelay $0x1  }
0x11: {  	s4 =	simm.s32 $_scs_section_size  }
0x12: {  	s5 =	simm.s32 $_size__tile_overlayer_lowered;
	s6 =	simm.s32 $_tile_overlayer_lowered  }
0x13: {  	s23 =	simm.s32 $0x1BFF;
	s22 =	sshll.u32 s6, $0x1;
	s3 =	sadd.s32 s4, s20  }
0x14: {  	s7 =	simm.s32 $0x0;
	s21 =	sshll.u32 s5, $0x1;
	s5 =	sadd.s32 s22, s3  }
0x15: {  	[timem:s7], [sflag:s23] =	dma.local [hbm:s5], s21  }
0x16: {  	_ =	swait.ge [sflag:s23], s21  }
0x17: {  	s4 =	ssub.s32 $0x0, s21;
	[sflag:s23] =	ssyncset.done $0x0  }
0x18: {  	[sflag:s23] =	ssyncadd.s32 s4;
	_ =	sdelay $0x1  }
0x19: {  	s24 =	simm.s32 $0x1B8B  }
0x1a: {  	_ =	swait.ge [sflag:s24], $0x1  }
0x1b: {  	[sflag:s24] =	ssyncset.done $0x0  }
0x1c: {  	s26 =	simm.s32 $0x1B8E;
	s25 =	sld [smem:$0x3FFE];
	[sflag:s24] =	ssyncadd.s32 $0xFFFFFFFF  }
0x1d: {  	s27 =	simm.s32 $execute0_lowered;
	[smem:$0x3FD2] =	sst s26  }
0x1e: {  	s5 =	sshll.u32 s27, $0x1;
	_ =	strace $0x80000049;
	[dreg:$0x1] =	wrdreg $0xFFFFFFFF  }
0x1f: {  	s28 =	simm.s32 $_size_execute0_lowered;
	s3 =	sadd.s32 s3, s5;
	[dreg:$0x0] =	wrdreg $0x0  }
0x20: {  	s5 =	sshll.u32 s28, $0x1;
	[dreg:$0x2] =	wrdreg s3  }
0x21: {  	[dreg:$0x3] =	wrdreg s5  }
0x22: {  	[dreg:$0x4] =	wrdreg $0xC0  }
0x23: {  	_ =	task [dreg:s7], $0x5FFFF  }
0x24: {  	[dreg:$0x1] =	wrdreg $0xFFFFFFFF  }
0x25: {  	[dreg:$0x0] =	wrdreg $0x60  }
0x26: {  	[dreg:$0x2] =	wrdreg s25  }
0x27: {  	[dreg:$0x3] =	wrdreg s2  }
0x28: {  	[dreg:$0x4] =	wrdreg $0x9  }
0x29: {  	_ =	task.clear_ibuf [dreg:s7], $0x5FFFF;
	_ =	strace $0x90000049  }
0x2a: {  	s29 =	simm.s32 $0x9;
	_ =	strace $0x8000004B  }
0x2b: {  	_ =	swait.ge [sflag:s29], $0x1  }
0x2c: {  	[sflag:s29] =	ssyncadd.s32 $0xFFFFFFFF  }
0x2d: {  	_ =	strace $0x9000004B  }
0x2e: {  	_ =	sfence  }
0x2f: {  	s30 =	sld [smem:$0x0];
	_ =	sdelay $0x2  }
0x30: {  	s31 =	sshll.u32 s1, $0xD;
	s1 =	sshrl.u32 s1, $0x2  }
0x31: {  	s3 =	sand.u32 $0x4000, s31;
	s1 =	sadd.s32 s1, s30  }
0x32: {  	s0 =	sor.u32 s3, s0;
	s1 =	sshll.u32 s1, $0x11  }
0x33: {  	s0 =	sor.u32 s1, s0  }
0x34: {  	s0 =	sadd.s32 $0x8F2B, s0  }
0x35: {  	[sflag:s0] =	ssyncadd.remote.s32 $0x1  }
0x36: {  	_ =	sfence.sel $0xFFFF  }
0x37: {  	[dreg:$0x0] =	wrdreg $0xFFFFFFFF;
	(pc) =	sbr.abs _section_cstart, $3  }
0x38: {  	[dreg:$0x1] =	wrdreg $0xFFFFFFFF  }
0x39: {  	_ =	task.clear_ibuf [dreg:s7], $0x2FFFF;
	_ =	strace $0x9FFFFFFF  }
0x3a: {  	(tm) =	ssettm $0x7FFFFFFF  }
0x3b: {  	_ =	shalt  }
tec
execute0_lowered:
.L_overlay_start_1:
0x0: {  	(tag) =	ssettag $0x1  }
0x1: {  	s0 =	srdreg.scid  }
0x2: {  	s1 =	sshll.u32 s0, $0x4  }
0x3: {  	s4 =	rddreg [dreg:$0x0];
	s0 =	stileid.u32;
	s1 =	sand.u32 $0x10, s1  }
0x4: {  	s2 =	rddreg [dreg:$0x1];
	s7 =	simm.s32 $0x1;
	s1 =	sor.u32 s0, s1  }
0x5: {  	s8 =	simm.s32 $0x2;
	s11 =	simm.s32 $0x0;
	s3 =	sshll.u32 s1, $0x7  }
0x6: {  	s10 =	simm.s32 $0x0;
	s4 =	sadd.s32 $0x800, s4;
	s6 =	ssub.s32 $0x320000, s3  }
.Ltmp0:
0x7: {  	s1 =	rddreg [dreg:$0x2];
	s5 =	sand.u32 $0xF80, s6;
	(pc) =	sbr.rel .LBB1_1-.Ltmp0, $4  }
0x8: {  	_ =	strace $0x8000004A;
	s9 =	smov.u32 s3;
	p0 =	sne.s32 s5, $0x0  }
0x9: {  	s6 =	sshrl.u32 s6, $0xC;
	s5 =	simm.s32 $0x1;
	s7 =	simm.s32 @!p0 $0x0  }
0xa: {  	[sflag:s5] =	ssyncpa.u1 $0x0;
	p0 =	por $0x0, $0x0;
	s6 =	sadd.s32 s7, s6  }
0xb: {  	[sflag:s8] =	ssyncpa.u1 $0x0;
	s8 =	simm.s32 $0x1900000;
	s7 =	sadd.s32 $0x1, s6  }
.LBB1_4:
0xc: {  	s14 =	sshll.u32 s11, $0x3  }
0xd: {  	s30 =	sand.u32 $0x7F, s11;
	s15 =	sand.u32 $0xFFFFFC00, s14  }
0xe: {  	s11 =	sor.u32 s30, s15  }
0xf: {  	s15 =	smulhi.u32 $0x51EB851F, s11  }
0x10: {  	s14 =	smulhi.u32 $0x51EB851F, s14  }
0x11: {  	s15 =	sshrl.u32 s15, $0x14  }
0x12: {  	s14 =	sshrl.u32 s14, $0x14;
	s15 =	smul.u32 $0x320000, s15  }
0x13: {  	s14 =	sand.u32 $0x1F, s14  }
0x14: {  	s14 =	smul.u32 $0x64000, s14;
	s11 =	ssub.s32 s11, s15  }
0x15: {  	s15 =	sand.u32 $0x7, s11  }
0x16: {  	s14 =	sadd.s32 s2, s14;
	s11 =	sshrl.u32 s11, $0x3;
	s15 =	sshll.u32 s15, $0x12  }
0x17: {  	[tilespmem:s13+$0x0 ss:$0x81] =	vst.msk $0xffff, v0;
	s11 =	sadd.s32 s11, s14;
	s31 =	sor.u32 $0x400, s15  }
0x18: {  	[hbm4b:s11+s31] =	stream.strided.scatter [tilespmem:s12], [sflag:$0x2], $0x1000, s8, s31, $0x20;
	[tilespmem:$0x4040] =	vst v63  }
.LBB1_5:
0x19: {  	s13 =	sadd.s32 $0x1000, s9  }
0x1a: {  	p2 =	sgt.s32 s13, $0x31FFFF  }
0x1b: {  	s13 =	smov.u32 @p2 s3;
	p2 =	sne.s32 s10, s7  }
.Ltmp1:
0x1c: {  	p1 =	slt.u32 s10, $0x2;
	(pc) =	sbr.rel @!p2 .LBB1_6-.Ltmp1, $4  }
0x1d: {  	s12 =	simm.s32 @!p1 $0x2  }
0x1e: {  	s14 =	sadd.s32 $0x1, s10;
	_ =	swait.ge @!p1 [sflag:s12], $0x1000  }
0x1f: {  	s11 =	smov.u32 s9;
	p0 =	por !p0, !p0;
	[sflag:s12] =	ssyncset.done @!p1 $0x0  }
0x20: {  	s10 =	smov.u32 s14;
	s9 =	smov.u32 s13;
	[sflag:s12] =	ssyncadd.s32 @!p1 $0xFFFFF000  }
.LBB1_1:
0x21: {  	p1 =	sge.u32 s10, s6  }
0x22: {  	s12 =	sand.u32 @!p1 $0x1FFFFFF, s9  }
0x23: {  	s13 =	smulhi.u32 @!p1 $0x147AE15, s12;
	_ =	sdelay $0x1  }
0x24: {  	s13 =	sshrl.u32 @!p1 s13, $0xE  }
0x25: {  	s13 =	smul.u32 @!p1 $0x320000, s13;
	_ =	sdelay $0x1  }
0x26: {  	s31 =	sadd.s32 $0xFFFFFFFF, s10;
	s14 =	sxor.u32 @!p1 $0xFFFFFFFF, s10;
	s12 =	ssub.s32 @!p1 s12, s13  }
0x27: {  	s15 =	simm.s32 @!p1 $0x80;
	s14 =	sshll.u32 @!p1 s14, $0xC;
	s12 =	sshll.u32 @!p1 s12, $0x4  }
0x28: {  	s13 =	sand.u32 @!p1 $0x1000, s14;
	s14 =	simm.s32 @!p1 $0x20;
	s12 =	sadd.s32 @!p1 s4, s12  }
0x29: {  	[tilespmem:s13], [sflag:$0x1] =	stream.strided.gather @!p1 [hbm4b:s12+s14], $0x1000, s15, s14, $0x38;
	[tilespmem:$0x4040] =	vst v63  }
0x2a: {  	p1 =	sge.u32 s31, s6  }
.Ltmp2:
0x2b: {  	_ = 	snop;
	(pc) =	sbr.rel @p1 .LBB1_5-.Ltmp2, $1  }
0x2c: {  	_ =	sdelay $0x3  }
0x2d: {  	s12 =	simm.s32 $0x1  }
0x2e: {  	_ =	swait.ge [sflag:s5], $0x1000;
	s12 =	simm.s32 @!p0 $0x0  }
0x2f: {  	[sflag:s5] =	ssyncset.done $0x0;
	s13 =	sshll.u32 s12, $0xC  }
0x30: {  	[sflag:s5] =	ssyncadd.s32 $0xFFFFF000;
	s16 =	sor.u32 $0x10, s13  }
0x31: {  	s12 =	smul.u32 $0x4080, s12;
	v1 =	vld [tilespmem:s16+$0x0]  }
0x32: {  	s30 =	sand.u32 $0x1, s10;
	v0 =	vld [tilespmem:s16+$0xFFFFFFF0]  }
0x33: {  	s13 =	smul.u32 $0x4080, s30;
	s12 =	sshrl.u32 s12, $0x2  }
0x34: {  	s14 =	sor.u32 $0x2000, s12  }
0x35: {  	s31 =	sshrl.u32 s13, $0x2;
	s13 =	sadd.s32 $0x0, s14  }
0x36: {  	s15 =	simm.s32 $0x4;
	s16 =	sadd.s32 $0x20, s16;
	s12 =	sor.u32 $0x2000, s31;
	[tilespmem:s13+$0x810 ss:$0x81] =	vst.msk $0xffff, v1  }
.LBB1_3:
0x37: {  	v1 =	vld [tilespmem:s16+$0x0];
	p1 =	sne.s32 s15, $0x1FC;
	[tilespmem:s13+$0x0 ss:$0x81] =	vst.msk $0xffff, v0;
	s13 =	smov.u32 s15;
	s15 =	sadd.s32 $0x4, s15  }
.Ltmp3:
0x38: {  	v0 =	vld [tilespmem:s16+$0xFFFFFFF0];
	(pc) =	sbr.rel @p1 .LBB1_3-.Ltmp3, $4  }
0x39: {  	_ = 	snop  }
0x3a: {  	s13 =	sshra.s32 s13, $0x2  }
0x3b: {  	s13 =	sadd.s32 s13, s14  }
0x3c: {  	s16 =	sadd.s32 $0x20, s16;
	[tilespmem:s13+$0x810 ss:$0x81] =	vst.msk $0xffff, v1  }
.Ltmp4:
0x3d: {  	_ = 	snop;
	(pc) =	sbr.rel .LBB1_4-.Ltmp4, $1  }
0x3e: {  	_ =	sdelay $0x3  }
.LBB1_6:
0x3f: {  	_ =	sfence.sel $0x180000  }
0x40: {  	s2 =	simm.s32 $0x1;
	[bflag:$0x0] =	sbarrier.arrive $0xFFFF  }
0x41: {  	s31 =	simm.s32 $0x2;
	[sflag:s2] =	ssyncpa.u1 $0x1  }
0x42: {  	[sflag:s31] =	ssyncpa.u1 $0x1  }
0x43: {  	p0 =	sne.s32 s0, $0x0;
	_ =	strace $0x9000004A  }
0x44: {  	s0 =	sadd.s32 @!p0 $0x100000, s1;
	[bflag:$0x2] =	sbarrier.arrive $0xFFFF  }
0x45: {  	[sflag:s0] =	ssyncadd.tile.s32 @!p0 $0x1;
	_ =	shalt  }
.Lfunc_end1:
_tile_overlayer_lowered:
.L_overlay_start_2:
0x46: {  	(tag) =	ssettag $0x2  }
0x47: {  	s0 =	rddreg [dreg:$0x0];
	s2 =	stileid.u32  }
0x48: {  	s1 =	rddreg [dreg:$0x1];
	p0 =	sne.s32 s2, $0x0  }
0x49: {  	s3 =	rddreg [dreg:$0x2];
	[bflag:$0x3] =	sbarrier.arrive $0xFFFF;
	s2 =	simm.s32 @!p0 $0x1C01  }
0x4a: {  	[timem:s3], [sflag:s2] =	dma.local @!p0 [hbm:s0], s1  }
0x4b: {  	s0 =	simm.s32 @!p0 $0x1  }
0x4c: {  	_ =	swait.ge @!p0 [sflag:s0], s1  }
0x4d: {  	s1 =	ssub.s32 @!p0 $0x0, s1;
	[sflag:s0] =	ssyncset.done @!p0 $0x0  }
0x4e: {  	[sflag:s0] =	ssyncadd.s32 @!p0 s1  }
0x4f: {  	[bflag:$0x3] =	sbarrier.arrive $0xFFFF  }
0x50: {  	_ =	shalt  }

</sc_bundles>
